<compile_context>
chip_gen: v7x
topology: tpu7x:2x2x1
jax: 0.10.2.dev20260603
libtpu: 0.0.44.dev20260713+nightly
codegen_flags: <defaults>
</compile_context>

<pallas_src>
import functools

import jax
import jax.numpy as jnp
from jax import lax
from jax.experimental import pallas as pl
from jax.experimental.pallas import tpu as pltpu
from jax.experimental.pallas import tpu_sc as plsc

B = 4096
HIST = 200
NMOVIE = 1000000
VGEN = 100
DID = 16
DGEN = 16

NC = 2
NS = 16
NW = NC * NS

SEQ_TOTAL = B * HIST
SEQ_PER_W = SEQ_TOTAL // NW
ADS_PER_W = B // NW
CHUNK = 3200
NCHUNK = SEQ_PER_W // CHUNK

_HIGH = lax.Precision.DEFAULT


def _sc_gather_body(tabA, tabB, idx_seq, idx_ads,
                    outSA, outSB, outAA, outAB,
                    idx0, rowA0, rowB0, idx1, rowA1, rowB1,
                    aidx, arowA, arowB, semA, semB):
    wid = lax.axis_index("s") * NC + lax.axis_index("c")
    sbase = wid * SEQ_PER_W
    abase = wid * ADS_PER_W

    pltpu.sync_copy(idx_ads.at[pl.ds(abase, ADS_PER_W)], aidx)
    ca = pltpu.async_copy(tabA.at[aidx], arowA, semA)
    cb = pltpu.async_copy(tabB.at[aidx], arowB, semB)
    ca.wait()
    cb.wait()
    pltpu.sync_copy(arowA, outAA.at[pl.ds(abase, ADS_PER_W)])
    pltpu.sync_copy(arowB, outAB.at[pl.ds(abase, ADS_PER_W)])

    ibufs = (idx0, idx1)
    rAbufs = (rowA0, rowA1)
    rBbufs = (rowB0, rowB1)
    pltpu.sync_copy(idx_seq.at[pl.ds(sbase, CHUNK)], idx0)
    prevA = pltpu.async_copy(tabA.at[idx0], rowA0, semA)
    prevB = pltpu.async_copy(tabB.at[idx0], rowB0, semB)
    for c in range(NCHUNK):
        cur = c % 2
        nxt = (c + 1) % 2
        if c + 1 < NCHUNK:
            pltpu.sync_copy(idx_seq.at[pl.ds(sbase + (c + 1) * CHUNK, CHUNK)],
                            ibufs[nxt])
            nxtA = pltpu.async_copy(tabA.at[ibufs[nxt]], rAbufs[nxt], semA)
            nxtB = pltpu.async_copy(tabB.at[ibufs[nxt]], rBbufs[nxt], semB)
        prevA.wait()
        prevB.wait()
        pltpu.sync_copy(rAbufs[cur], outSA.at[pl.ds(sbase + c * CHUNK, CHUNK)])
        pltpu.sync_copy(rBbufs[cur], outSB.at[pl.ds(sbase + c * CHUNK, CHUNK)])
        if c + 1 < NCHUNK:
            prevA, prevB = nxtA, nxtB


@functools.cache
def _sc_gather_kernel():
    return pl.kernel(
        _sc_gather_body,
        out_type=[
            jax.ShapeDtypeStruct((SEQ_TOTAL,), jnp.int32),
            jax.ShapeDtypeStruct((SEQ_TOTAL,), jnp.int32),
            jax.ShapeDtypeStruct((B,), jnp.int32),
            jax.ShapeDtypeStruct((B,), jnp.int32),
        ],
        mesh=plsc.VectorSubcoreMesh(core_axis_name="c", subcore_axis_name="s"),
        scratch_types=[
            pltpu.VMEM((CHUNK,), jnp.int32),
            pltpu.VMEM((CHUNK,), jnp.int32),
            pltpu.VMEM((CHUNK,), jnp.int32),
            pltpu.VMEM((CHUNK,), jnp.int32),
            pltpu.VMEM((CHUNK,), jnp.int32),
            pltpu.VMEM((CHUNK,), jnp.int32),
            pltpu.VMEM((ADS_PER_W,), jnp.int32),
            pltpu.VMEM((ADS_PER_W,), jnp.int32),
            pltpu.VMEM((ADS_PER_W,), jnp.int32),
            pltpu.SemaphoreType.DMA,
            pltpu.SemaphoreType.DMA,
        ],
        compiler_params=pltpu.CompilerParams(use_tc_tiling_on_sc=False),
    )


TB = 64
NP = TB * HIST
NV = 104


def _embed_t(wA, wB, t_id_t, t_gen_t, iota_v):
    oh0 = (iota_v == (wA & 255)).astype(jnp.float32)
    idf = jnp.dot(t_id_t, oh0, precision=_HIGH)
    m = (iota_v == ((wA >> 8) & 255)).astype(jnp.float32)
    m = m + (iota_v == ((wA >> 16) & 255)).astype(jnp.float32)
    m = m + (iota_v == (wA >> 24)).astype(jnp.float32)
    m = m + (iota_v == wB).astype(jnp.float32)
    gsum = jnp.dot(t_gen_t, m, precision=_HIGH)
    cnt = jnp.sum(m, axis=0, keepdims=True) - m[0:1, :]
    gf = gsum / (cnt + 1e-8)
    return jnp.concatenate([idf, gf], axis=0)


def _prelu_k(x, a):
    return jnp.where(x >= 0, x, a * x)


def _attn_body(sA_ref, sB_ref, aA_ref, aB_ref, t_id_ref, t_gen_ref,
               exp_bp_ref, exp_pb_ref,
               aW1_ref, ab1_ref, ap1_ref, aW2_ref, ab2_ref, ap2_ref,
               aWo_ref, abo_ref, out_ref):
    t_id_t = t_id_ref[...]
    t_gen_t = t_gen_ref[...]
    iota_seq = lax.broadcasted_iota(jnp.int32, (NV, NP), 0)
    iota_ads = lax.broadcasted_iota(jnp.int32, (NV, TB), 0)

    me_seq = _embed_t(sA_ref[0], sB_ref[0], t_id_t, t_gen_t, iota_seq)
    me_ads = _embed_t(aA_ref[0], aB_ref[0], t_id_t, t_gen_t, iota_ads)

    exp_bp = exp_bp_ref[...]
    exp_pb = exp_pb_ref[...]

    t = jnp.dot(me_ads, exp_bp, precision=_HIGH)
    h = jnp.concatenate([me_seq, t, me_seq * t], axis=0)
    h = _prelu_k(jnp.dot(aW1_ref[...], h, precision=_HIGH) + ab1_ref[...],
                 ap1_ref[0, 0])
    h = _prelu_k(jnp.dot(aW2_ref[...], h, precision=_HIGH) + ab2_ref[...],
                 ap2_ref[0, 0])
    att = jnp.dot(aWo_ref[...], h, precision=_HIGH) + abo_ref[...]
    pooled = jnp.dot(me_seq * att, exp_pb, precision=_HIGH)
    out_ref[0] = jnp.concatenate([pooled, me_ads], axis=0)


def _attn_call(sA, sB, aA, aB, t_id_t, t_gen_t, exp_bp, exp_pb,
               aW1t, ab1, ap1, aW2t, ab2, ap2, aWot, abo):
    rep = lambda shape: pl.BlockSpec(shape, lambda i: tuple(0 for _ in shape))
    grid = B // TB
    return pl.pallas_call(
        _attn_body,
        grid=(grid,),
        in_specs=[
            pl.BlockSpec((1, 1, NP), lambda i: (i, 0, 0)),
            pl.BlockSpec((1, 1, NP), lambda i: (i, 0, 0)),
            pl.BlockSpec((1, 1, TB), lambda i: (i, 0, 0)),
            pl.BlockSpec((1, 1, TB), lambda i: (i, 0, 0)),
            rep((16, NV)), rep((16, NV)),
            rep((TB, NP)), rep((NP, TB)),
            rep((36, 96)), rep((36, 1)), rep((1, 1)),
            rep((16, 36)), rep((16, 1)), rep((1, 1)),
            rep((1, 16)), rep((1, 1)),
        ],
        out_specs=pl.BlockSpec((1, 64, TB), lambda i: (i, 0, 0)),
        out_shape=jax.ShapeDtypeStruct((B // TB, 64, TB), jnp.float32),
    )(sA, sB, aA, aB, t_id_t, t_gen_t, exp_bp, exp_pb,
      aW1t, ab1, ap1, aW2t, ab2, ap2, aWot, abo)


def _bn_prelu_t(z, g, b, a):
    mu = jnp.mean(z, axis=1, keepdims=True)
    var = jnp.mean((z - mu) ** 2, axis=1, keepdims=True)
    zn = (z - mu) / jnp.sqrt(var + 1e-5) * g + b
    return _prelu_k(zn, a)


def _mlp_body(x_ref, mW1_ref, mb1_ref, g1_ref, be1_ref, mp1_ref,
              mW2_ref, mb2_ref, g2_ref, be2_ref, mp2_ref,
              Wo_ref, bo_ref, out_ref):
    x = x_ref[...]
    z1 = jnp.dot(mW1_ref[...], x, precision=_HIGH) + mb1_ref[...]
    z1 = _bn_prelu_t(z1, g1_ref[...], be1_ref[...], mp1_ref[0, 0])
    z2 = jnp.dot(mW2_ref[...], z1, precision=_HIGH) + mb2_ref[...]
    z2 = _bn_prelu_t(z2, g2_ref[...], be2_ref[...], mp2_ref[0, 0])
    logits = jnp.dot(Wo_ref[...], z2, precision=_HIGH) + bo_ref[...]
    mx = jnp.max(logits, axis=0, keepdims=True)
    e = jnp.exp(logits - mx)
    out_ref[...] = e / jnp.sum(e, axis=0, keepdims=True)


def _mlp_call(x, mW1t, mb1, g1, be1, mp1, mW2t, mb2, g2, be2, mp2, Wot, bo):
    return pl.pallas_call(
        _mlp_body,
        out_shape=jax.ShapeDtypeStruct((2, B), jnp.float32),
    )(x, mW1t, mb1, g1, be1, mp1, mW2t, mb2, g2, be2, mp2, Wot, bo)


def kernel(rowData, userFeature, movieFeature, movieId_table, genre_table,
           aW1, ab1, ap1, aW2, ab2, ap2, aWo, abo,
           mW1, mb1, g1, be1, mp1, mW2, mb2, g2, be2, mp2, Wo, bo):
    del userFeature

    tabA = (movieFeature[:, 0] | (movieFeature[:, 1] << 8)
            | (movieFeature[:, 2] << 16) | (movieFeature[:, 3] << 24))
    tabB = movieFeature[:, 4]

    seq_idx = rowData[:, 1:-1].reshape(-1)
    ads_idx = rowData[:, -1]
    sA, sB, aA, aB = _sc_gather_kernel()(tabA, tabB, seq_idx, ads_idx)
    sA = sA.reshape(B // TB, 1, NP)
    sB = sB.reshape(B // TB, 1, NP)
    aA = aA.reshape(B // TB, 1, TB)
    aB = aB.reshape(B // TB, 1, TB)

    t_id_t = movieId_table[:NV].T
    t_gen_t = jnp.zeros((NV, DGEN), jnp.float32).at[:VGEN].set(genre_table).T

    col = lambda v: v.reshape(-1, 1)
    s2 = lambda v: v.reshape(1, 1)
    prow = jnp.arange(NP, dtype=jnp.int32) // HIST
    brow = jnp.arange(TB, dtype=jnp.int32)
    exp_bp = (prow[None, :] == brow[:, None]).astype(jnp.float32)
    exp_pb = (prow[:, None] == brow[None, :]).astype(jnp.float32)
    x3 = _attn_call(sA, sB, aA, aB, t_id_t, t_gen_t, exp_bp, exp_pb,
                    aW1.T, col(ab1), s2(ap1), aW2.T, col(ab2), s2(ap2),
                    aWo.T, col(abo))
    x = x3.transpose(1, 0, 2).reshape(64, B)
    out_t = _mlp_call(x, mW1.T, col(mb1), col(g1), col(be1), s2(mp1),
                      mW2.T, col(mb2), col(g2), col(be2), s2(mp2),
                      Wo.T, col(bo))
    return out_t.T

# --- scband reference (transcript-rebuilt; emitter-appended) ---
"""Pipeline reference for scband-din-69166153335384 (READ-ONLY COPY).

The authoritative reference and input builder live on the scoring server;
editing this copy changes nothing except your own understanding.
"""

import jax, jax.numpy as jnp
import numpy as np

B = 4096
HIST = 200
NMOVIE = 1000000
VGEN = 100
DID = 16
DGEN = 16


def _prelu(x, a):
    return jnp.where(x >= 0, x, a * x)


def _bn_train(x, g, b, eps=1e-5):
    mu = jnp.mean(x, axis=0)
    var = jnp.var(x, axis=0)
    return (x - mu) / jnp.sqrt(var + eps) * g + b


def _seq_mean_pool(x, mask):
    length = jnp.sum(mask.astype(jnp.float32), axis=-1, keepdims=True)
    s = jnp.sum(x, axis=-2)
    return s / (length + 1e-8)


def setup_inputs(seed: int = 0):
    key = jax.random.key(seed)
    ks = jax.random.split(key, 16)
    def lin(k, i, o):
        return jax.random.normal(k, (i, o), jnp.float32) * (1.0 / np.sqrt(i))
    inp = {}
    inp["rowData"] = jax.random.randint(ks[0], (B, HIST + 2), 0, NMOVIE)
    inp["userFeature"] = jax.random.randint(ks[1], (B, 4), 0, 100)
    inp["movieFeature"] = jax.random.randint(ks[2], (NMOVIE, 5), 0, VGEN)
    inp["movieId_table"] = (jax.random.normal(ks[3], (NMOVIE, DID), jnp.float32) * 0.05).at[0].set(0.0)
    inp["genre_table"] = (jax.random.normal(ks[4], (VGEN, DGEN), jnp.float32) * 0.05).at[0].set(0.0)
    inp["aW1"] = lin(ks[5], 96, 36); inp["ab1"] = jnp.zeros((36,), jnp.float32)
    inp["ap1"] = jnp.asarray(0.25, jnp.float32)
    inp["aW2"] = lin(ks[6], 36, 16); inp["ab2"] = jnp.zeros((16,), jnp.float32)
    inp["ap2"] = jnp.asarray(0.25, jnp.float32)
    inp["aWo"] = lin(ks[7], 16, 1); inp["abo"] = jnp.zeros((1,), jnp.float32)
    inp["mW1"] = lin(ks[8], 64, 200); inp["mb1"] = jnp.zeros((200,), jnp.float32)
    inp["g1"] = jnp.ones((200,), jnp.float32); inp["be1"] = jnp.zeros((200,), jnp.float32)
    inp["mp1"] = jnp.asarray(0.25, jnp.float32)
    inp["mW2"] = lin(ks[9], 200, 80); inp["mb2"] = jnp.zeros((80,), jnp.float32)
    inp["g2"] = jnp.ones((80,), jnp.float32); inp["be2"] = jnp.zeros((80,), jnp.float32)
    inp["mp2"] = jnp.asarray(0.25, jnp.float32)
    inp["Wo"] = lin(ks[10], 80, 2); inp["bo"] = jnp.zeros((2,), jnp.float32)
    return inp


def _forward(movieId_table, genre_table, aW1, ab1, ap1, aW2, ab2, ap2, aWo, abo,
             mW1, mb1, g1, be1, mp1, mW2, mb2, g2, be2, mp2, Wo, bo,
             rowData, movieFeature):
    movieIdSequence = rowData[:, 1:-1]            # [B, HIST]
    ads = rowData[:, -1]                          # [B]
    mfs = movieFeature[movieIdSequence]           # [B, HIST, 5] gather
    af = movieFeature[ads]                        # [B, 5] gather
    movieIdFeat = movieId_table[mfs[:, :, 0]]     # [B, HIST, DID]
    movieGenreFeat = genre_table[mfs[:, :, 1:]]   # [B, HIST, 4, DGEN]
    movieGenreFeat = _seq_mean_pool(movieGenreFeat, mfs[:, :, 1:] > 0)
    adsIdFeat = movieId_table[af[:, 0]]           # [B, DID]
    adsGenreFeat = genre_table[af[:, 1:]]         # [B, 4, DGEN]
    adsGenreFeat = _seq_mean_pool(adsGenreFeat, af[:, 1:] > 0)
    movieEmbedding = jnp.concatenate([movieIdFeat, movieGenreFeat], axis=-1)  # [B, HIST, 32]
    adsEmbedding = jnp.concatenate([adsIdFeat, adsGenreFeat], axis=-1)        # [B, 32]
    # attention activation unit
    target = jnp.broadcast_to(adsEmbedding[:, None, :], movieEmbedding.shape)
    h = jnp.concatenate([movieEmbedding, target, movieEmbedding * target], axis=2)  # [B, HIST, 96]
    h = _prelu(h @ aW1 + ab1, ap1)
    h = _prelu(h @ aW2 + ab2, ap2)
    att = h @ aWo + abo                            # [B, HIST, 1]
    # attention pooling (repeat_interleave of weights == broadcast multiply)
    pooled = jnp.sum(movieEmbedding * att, axis=-2)  # [B, 32]
    x = jnp.concatenate([pooled, adsEmbedding], axis=-1)  # [B, 64]
    x = _prelu(_bn_train(x @ mW1 + mb1, g1, be1), mp1)
    x = _prelu(_bn_train(x @ mW2 + mb2, g2, be2), mp2)
    return jax.nn.softmax(x @ Wo + bo, axis=1)


def reference(rowData, userFeature, movieFeature, movieId_table, genre_table,
              aW1, ab1, ap1, aW2, ab2, ap2, aWo, abo,
              mW1, mb1, g1, be1, mp1, mW2, mb2, g2, be2, mp2, Wo, bo):
    del userFeature  # unused by DIN.forward
    return _forward(movieId_table, genre_table, aW1, ab1, ap1, aW2, ab2, ap2, aWo, abo,
                    mW1, mb1, g1, be1, mp1, mW2, mb2, g2, be2, mp2, Wo, bo,
                    rowData, movieFeature)

if __name__ == "__main__":
    import jax
    _d = setup_inputs()
    print(jax.jit(kernel)(*tuple(_d.values())))

</pallas_src>

<mosaic_0001>
#map = affine_map<(d0, d1) -> (0)>
module attributes {stable_mosaic.version = 14 : i64} {
  func.func @_sc_gather_body(%arg0: i32, %arg1: i32, %arg2: memref<1000000xi32, #tpu.memory_space<hbm>>, %arg3: memref<1000000xi32, #tpu.memory_space<hbm>>, %arg4: memref<819200xi32, #tpu.memory_space<hbm>>, %arg5: memref<4096xi32, #tpu.memory_space<hbm>>, %arg6: memref<819200xi32, #tpu.memory_space<hbm>>, %arg7: memref<819200xi32, #tpu.memory_space<hbm>>, %arg8: memref<4096xi32, #tpu.memory_space<hbm>>, %arg9: memref<4096xi32, #tpu.memory_space<hbm>>, %arg10: memref<3200xi32, #tpu.memory_space<vmem>>, %arg11: memref<3200xi32, #tpu.memory_space<vmem>>, %arg12: memref<3200xi32, #tpu.memory_space<vmem>>, %arg13: memref<3200xi32, #tpu.memory_space<vmem>>, %arg14: memref<3200xi32, #tpu.memory_space<vmem>>, %arg15: memref<3200xi32, #tpu.memory_space<vmem>>, %arg16: memref<128xi32, #tpu.memory_space<vmem>>, %arg17: memref<128xi32, #tpu.memory_space<vmem>>, %arg18: memref<128xi32, #tpu.memory_space<vmem>>, %arg19: memref<!tpu.dma_semaphore, #tpu.memory_space<semaphore_mem>>, %arg20: memref<!tpu.dma_semaphore, #tpu.memory_space<semaphore_mem>>) attributes {dimension_semantics = [#tpu.dimension_semantics<core_parallel>, #tpu.dimension_semantics<subcore_parallel>], iteration_bounds = array<i64: 2, 16>, scalar_prefetch = 0 : i64, scratch_operands = 11 : i64, tpu.core_type = #tpu.core_type<sc_vector_subcore>, window_params = [{transform_indices = #map}, {transform_indices = #map}, {transform_indices = #map}, {transform_indices = #map}, {transform_indices = #map}, {transform_indices = #map}, {transform_indices = #map}, {transform_indices = #map}]} {
    %mul3A = arith.constant 2 : i32
    %mul3A_0 = arith.muli %arg1, %mul3A : i32
    %add3A = arith.addi %mul3A_0, %arg0 : i32
    %mul3A_1 = arith.constant 25600 : i32
    %mul3A_2 = arith.muli %add3A, %mul3A_1 : i32
    %mul3A_3 = arith.constant 128 : i32
    %mul3A_4 = arith.muli %add3A, %mul3A_3 : i32
    "tpu.region"() ({
      %run_scoped3A = tpu.sem_alloc : memref<!tpu.dma_semaphore, #tpu.memory_space<semaphore_mem>>
      %dma_start3A_121 = tpu.memref_slice %arg5[%mul3A_4] : memref<4096xi32, #tpu.memory_space<hbm>> -> memref<128xi32, #tpu.memory_space<hbm>>
      %dma_start3A_122 = tpu.memref_slice %arg5[%mul3A_4] : memref<4096xi32, #tpu.memory_space<hbm>> -> memref<128xi32, #tpu.memory_space<hbm>>
      tpu.enqueue_dma source(%dma_start3A_122 : memref<128xi32, #tpu.memory_space<hbm>>) target(%arg16 : memref<128xi32, #tpu.memory_space<vmem>>) target_semaphore(%run_scoped3A : memref<!tpu.dma_semaphore, #tpu.memory_space<semaphore_mem>>)
      %dma_wait3A_123 = tpu.memref_slice %arg5[%mul3A_4] : memref<4096xi32, #tpu.memory_space<hbm>> -> memref<128xi32, #tpu.memory_space<hbm>>
      %dma_wait3A_124 = tpu.memref_slice %arg5[%mul3A_4] : memref<4096xi32, #tpu.memory_space<hbm>> -> memref<128xi32, #tpu.memory_space<hbm>>
      tpu.wait_dma2 semaphore(%run_scoped3A : memref<!tpu.dma_semaphore, #tpu.memory_space<semaphore_mem>>) src(%dma_wait3A_124 : memref<128xi32, #tpu.memory_space<hbm>>) dst(%arg16 : memref<128xi32, #tpu.memory_space<vmem>>)
      tpu.yield
    }) : () -> ()
    %dma_start3A = arith.constant 0 : i32
    %dma_start3A_5 = tpu.memref_slice %arg2[%dma_start3A] : memref<1000000xi32, #tpu.memory_space<hbm>> -> memref<1000000xi32, #tpu.memory_space<hbm>>
    tpu.enqueue_indirect_dma source(%dma_start3A_5 : memref<1000000xi32, #tpu.memory_space<hbm>>) target(%arg17 : memref<128xi32, #tpu.memory_space<vmem>>) offsets(%arg16 : memref<128xi32, #tpu.memory_space<vmem>>) semaphore(%arg19 : memref<!tpu.dma_semaphore, #tpu.memory_space<semaphore_mem>>)
    %dma_start3A_6 = arith.constant 0 : i32
    %dma_start3A_7 = tpu.memref_slice %arg3[%dma_start3A_6] : memref<1000000xi32, #tpu.memory_space<hbm>> -> memref<1000000xi32, #tpu.memory_space<hbm>>
    tpu.enqueue_indirect_dma source(%dma_start3A_7 : memref<1000000xi32, #tpu.memory_space<hbm>>) target(%arg18 : memref<128xi32, #tpu.memory_space<vmem>>) offsets(%arg16 : memref<128xi32, #tpu.memory_space<vmem>>) semaphore(%arg20 : memref<!tpu.dma_semaphore, #tpu.memory_space<semaphore_mem>>)
    %dma_wait3A = arith.constant 0 : i32
    %dma_wait3A_8 = tpu.memref_slice %arg2[%dma_wait3A] : memref<1000000xi32, #tpu.memory_space<hbm>> -> memref<1000000xi32, #tpu.memory_space<hbm>>
    tpu.wait_indirect_dma semaphore(%arg19 : memref<!tpu.dma_semaphore, #tpu.memory_space<semaphore_mem>>) src(%dma_wait3A_8 : memref<1000000xi32, #tpu.memory_space<hbm>>) dst(%arg17 : memref<128xi32, #tpu.memory_space<vmem>>)
    %dma_wait3A_9 = arith.constant 0 : i32
    %dma_wait3A_10 = tpu.memref_slice %arg3[%dma_wait3A_9] : memref<1000000xi32, #tpu.memory_space<hbm>> -> memref<1000000xi32, #tpu.memory_space<hbm>>
    tpu.wait_indirect_dma semaphore(%arg20 : memref<!tpu.dma_semaphore, #tpu.memory_space<semaphore_mem>>) src(%dma_wait3A_10 : memref<1000000xi32, #tpu.memory_space<hbm>>) dst(%arg18 : memref<128xi32, #tpu.memory_space<vmem>>)
    "tpu.region"() ({
      %run_scoped3A = tpu.sem_alloc : memref<!tpu.dma_semaphore, #tpu.memory_space<semaphore_mem>>
      %dma_start3A_121 = tpu.memref_slice %arg8[%mul3A_4] : memref<4096xi32, #tpu.memory_space<hbm>> -> memref<128xi32, #tpu.memory_space<hbm>>
      %dma_start3A_122 = tpu.memref_slice %arg8[%mul3A_4] : memref<4096xi32, #tpu.memory_space<hbm>> -> memref<128xi32, #tpu.memory_space<hbm>>
      tpu.enqueue_dma source(%arg17 : memref<128xi32, #tpu.memory_space<vmem>>) target(%dma_start3A_122 : memref<128xi32, #tpu.memory_space<hbm>>) target_semaphore(%run_scoped3A : memref<!tpu.dma_semaphore, #tpu.memory_space<semaphore_mem>>)
      %dma_wait3A_123 = tpu.memref_slice %arg8[%mul3A_4] : memref<4096xi32, #tpu.memory_space<hbm>> -> memref<128xi32, #tpu.memory_space<hbm>>
      %dma_wait3A_124 = tpu.memref_slice %arg8[%mul3A_4] : memref<4096xi32, #tpu.memory_space<hbm>> -> memref<128xi32, #tpu.memory_space<hbm>>
      tpu.wait_dma2 semaphore(%run_scoped3A : memref<!tpu.dma_semaphore, #tpu.memory_space<semaphore_mem>>) src(%arg17 : memref<128xi32, #tpu.memory_space<vmem>>) dst(%dma_wait3A_124 : memref<128xi32, #tpu.memory_space<hbm>>)
      tpu.yield
    }) : () -> ()
    "tpu.region"() ({
      %run_scoped3A = tpu.sem_alloc : memref<!tpu.dma_semaphore, #tpu.memory_space<semaphore_mem>>
      %dma_start3A_121 = tpu.memref_slice %arg9[%mul3A_4] : memref<4096xi32, #tpu.memory_space<hbm>> -> memref<128xi32, #tpu.memory_space<hbm>>
      %dma_start3A_122 = tpu.memref_slice %arg9[%mul3A_4] : memref<4096xi32, #tpu.memory_space<hbm>> -> memref<128xi32, #tpu.memory_space<hbm>>
      tpu.enqueue_dma source(%arg18 : memref<128xi32, #tpu.memory_space<vmem>>) target(%dma_start3A_122 : memref<128xi32, #tpu.memory_space<hbm>>) target_semaphore(%run_scoped3A : memref<!tpu.dma_semaphore, #tpu.memory_space<semaphore_mem>>)
      %dma_wait3A_123 = tpu.memref_slice %arg9[%mul3A_4] : memref<4096xi32, #tpu.memory_space<hbm>> -> memref<128xi32, #tpu.memory_space<hbm>>
      %dma_wait3A_124 = tpu.memref_slice %arg9[%mul3A_4] : memref<4096xi32, #tpu.memory_space<hbm>> -> memref<128xi32, #tpu.memory_space<hbm>>
      tpu.wait_dma2 semaphore(%run_scoped3A : memref<!tpu.dma_semaphore, #tpu.memory_space<semaphore_mem>>) src(%arg18 : memref<128xi32, #tpu.memory_space<vmem>>) dst(%dma_wait3A_124 : memref<128xi32, #tpu.memory_space<hbm>>)
      tpu.yield
    }) : () -> ()
    "tpu.region"() ({
      %run_scoped3A = tpu.sem_alloc : memref<!tpu.dma_semaphore, #tpu.memory_space<semaphore_mem>>
      %dma_start3A_121 = tpu.memref_slice %arg4[%mul3A_2] : memref<819200xi32, #tpu.memory_space<hbm>> -> memref<3200xi32, #tpu.memory_space<hbm>>
      %dma_start3A_122 = tpu.memref_slice %arg4[%mul3A_2] : memref<819200xi32, #tpu.memory_space<hbm>> -> memref<3200xi32, #tpu.memory_space<hbm>>
      tpu.enqueue_dma source(%dma_start3A_122 : memref<3200xi32, #tpu.memory_space<hbm>>) target(%arg10 : memref<3200xi32, #tpu.memory_space<vmem>>) target_semaphore(%run_scoped3A : memref<!tpu.dma_semaphore, #tpu.memory_space<semaphore_mem>>)
      %dma_wait3A_123 = tpu.memref_slice %arg4[%mul3A_2] : memref<819200xi32, #tpu.memory_space<hbm>> -> memref<3200xi32, #tpu.memory_space<hbm>>
      %dma_wait3A_124 = tpu.memref_slice %arg4[%mul3A_2] : memref<819200xi32, #tpu.memory_space<hbm>> -> memref<3200xi32, #tpu.memory_space<hbm>>
      tpu.wait_dma2 semaphore(%run_scoped3A : memref<!tpu.dma_semaphore, #tpu.memory_space<semaphore_mem>>) src(%dma_wait3A_124 : memref<3200xi32, #tpu.memory_space<hbm>>) dst(%arg10 : memref<3200xi32, #tpu.memory_space<vmem>>)
      tpu.yield
    }) : () -> ()
    %dma_start3A_11 = arith.constant 0 : i32
    %dma_start3A_12 = tpu.memref_slice %arg2[%dma_start3A_11] : memref<1000000xi32, #tpu.memory_space<hbm>> -> memref<1000000xi32, #tpu.memory_space<hbm>>
    tpu.enqueue_indirect_dma source(%dma_start3A_12 : memref<1000000xi32, #tpu.memory_space<hbm>>) target(%arg11 : memref<3200xi32, #tpu.memory_space<vmem>>) offsets(%arg10 : memref<3200xi32, #tpu.memory_space<vmem>>) semaphore(%arg19 : memref<!tpu.dma_semaphore, #tpu.memory_space<semaphore_mem>>)
    %dma_start3A_13 = arith.constant 0 : i32
    %dma_start3A_14 = tpu.memref_slice %arg3[%dma_start3A_13] : memref<1000000xi32, #tpu.memory_space<hbm>> -> memref<1000000xi32, #tpu.memory_space<hbm>>
    tpu.enqueue_indirect_dma source(%dma_start3A_14 : memref<1000000xi32, #tpu.memory_space<hbm>>) target(%arg12 : memref<3200xi32, #tpu.memory_space<vmem>>) offsets(%arg10 : memref<3200xi32, #tpu.memory_space<vmem>>) semaphore(%arg20 : memref<!tpu.dma_semaphore, #tpu.memory_space<semaphore_mem>>)
    %add3A_15 = arith.constant 3200 : i32
    %add3A_16 = arith.addi %mul3A_2, %add3A_15 : i32
    "tpu.region"() ({
      %run_scoped3A = tpu.sem_alloc : memref<!tpu.dma_semaphore, #tpu.memory_space<semaphore_mem>>
      %dma_start3A_121 = tpu.memref_slice %arg4[%add3A_16] : memref<819200xi32, #tpu.memory_space<hbm>> -> memref<3200xi32, #tpu.memory_space<hbm>>
      %dma_start3A_122 = tpu.memref_slice %arg4[%add3A_16] : memref<819200xi32, #tpu.memory_space<hbm>> -> memref<3200xi32, #tpu.memory_space<hbm>>
      tpu.enqueue_dma source(%dma_start3A_122 : memref<3200xi32, #tpu.memory_space<hbm>>) target(%arg13 : memref<3200xi32, #tpu.memory_space<vmem>>) target_semaphore(%run_scoped3A : memref<!tpu.dma_semaphore, #tpu.memory_space<semaphore_mem>>)
      %dma_wait3A_123 = tpu.memref_slice %arg4[%add3A_16] : memref<819200xi32, #tpu.memory_space<hbm>> -> memref<3200xi32, #tpu.memory_space<hbm>>
      %dma_wait3A_124 = tpu.memref_slice %arg4[%add3A_16] : memref<819200xi32, #tpu.memory_space<hbm>> -> memref<3200xi32, #tpu.memory_space<hbm>>
      tpu.wait_dma2 semaphore(%run_scoped3A : memref<!tpu.dma_semaphore, #tpu.memory_space<semaphore_mem>>) src(%dma_wait3A_124 : memref<3200xi32, #tpu.memory_space<hbm>>) dst(%arg13 : memref<3200xi32, #tpu.memory_space<vmem>>)
      tpu.yield
    }) : () -> ()
    %dma_start3A_17 = arith.constant 0 : i32
    %dma_start3A_18 = tpu.memref_slice %arg2[%dma_start3A_17] : memref<1000000xi32, #tpu.memory_space<hbm>> -> memref<1000000xi32, #tpu.memory_space<hbm>>
    tpu.enqueue_indirect_dma source(%dma_start3A_18 : memref<1000000xi32, #tpu.memory_space<hbm>>) target(%arg14 : memref<3200xi32, #tpu.memory_space<vmem>>) offsets(%arg13 : memref<3200xi32, #tpu.memory_space<vmem>>) semaphore(%arg19 : memref<!tpu.dma_semaphore, #tpu.memory_space<semaphore_mem>>)
    %dma_start3A_19 = arith.constant 0 : i32
    %dma_start3A_20 = tpu.memref_slice %arg3[%dma_start3A_19] : memref<1000000xi32, #tpu.memory_space<hbm>> -> memref<1000000xi32, #tpu.memory_space<hbm>>
    tpu.enqueue_indirect_dma source(%dma_start3A_20 : memref<1000000xi32, #tpu.memory_space<hbm>>) target(%arg15 : memref<3200xi32, #tpu.memory_space<vmem>>) offsets(%arg13 : memref<3200xi32, #tpu.memory_space<vmem>>) semaphore(%arg20 : memref<!tpu.dma_semaphore, #tpu.memory_space<semaphore_mem>>)
    %dma_wait3A_21 = arith.constant 0 : i32
    %dma_wait3A_22 = tpu.memref_slice %arg2[%dma_wait3A_21] : memref<1000000xi32, #tpu.memory_space<hbm>> -> memref<1000000xi32, #tpu.memory_space<hbm>>
    tpu.wait_indirect_dma semaphore(%arg19 : memref<!tpu.dma_semaphore, #tpu.memory_space<semaphore_mem>>) src(%dma_wait3A_22 : memref<1000000xi32, #tpu.memory_space<hbm>>) dst(%arg11 : memref<3200xi32, #tpu.memory_space<vmem>>)
    %dma_wait3A_23 = arith.constant 0 : i32
    %dma_wait3A_24 = tpu.memref_slice %arg3[%dma_wait3A_23] : memref<1000000xi32, #tpu.memory_space<hbm>> -> memref<1000000xi32, #tpu.memory_space<hbm>>
    tpu.wait_indirect_dma semaphore(%arg20 : memref<!tpu.dma_semaphore, #tpu.memory_space<semaphore_mem>>) src(%dma_wait3A_24 : memref<1000000xi32, #tpu.memory_space<hbm>>) dst(%arg12 : memref<3200xi32, #tpu.memory_space<vmem>>)
    %add3A_25 = arith.constant 0 : i32
    %add3A_26 = arith.addi %mul3A_2, %add3A_25 : i32
    "tpu.region"() ({
      %run_scoped3A = tpu.sem_alloc : memref<!tpu.dma_semaphore, #tpu.memory_space<semaphore_mem>>
      %dma_start3A_121 = tpu.memref_slice %arg6[%add3A_26] : memref<819200xi32, #tpu.memory_space<hbm>> -> memref<3200xi32, #tpu.memory_space<hbm>>
      %dma_start3A_122 = tpu.memref_slice %arg6[%add3A_26] : memref<819200xi32, #tpu.memory_space<hbm>> -> memref<3200xi32, #tpu.memory_space<hbm>>
      tpu.enqueue_dma source(%arg11 : memref<3200xi32, #tpu.memory_space<vmem>>) target(%dma_start3A_122 : memref<3200xi32, #tpu.memory_space<hbm>>) target_semaphore(%run_scoped3A : memref<!tpu.dma_semaphore, #tpu.memory_space<semaphore_mem>>)
      %dma_wait3A_123 = tpu.memref_slice %arg6[%add3A_26] : memref<819200xi32, #tpu.memory_space<hbm>> -> memref<3200xi32, #tpu.memory_space<hbm>>
      %dma_wait3A_124 = tpu.memref_slice %arg6[%add3A_26] : memref<819200xi32, #tpu.memory_space<hbm>> -> memref<3200xi32, #tpu.memory_space<hbm>>
      tpu.wait_dma2 semaphore(%run_scoped3A : memref<!tpu.dma_semaphore, #tpu.memory_space<semaphore_mem>>) src(%arg11 : memref<3200xi32, #tpu.memory_space<vmem>>) dst(%dma_wait3A_124 : memref<3200xi32, #tpu.memory_space<hbm>>)
      tpu.yield
    }) : () -> ()
    %add3A_27 = arith.constant 0 : i32
    %add3A_28 = arith.addi %mul3A_2, %add3A_27 : i32
    "tpu.region"() ({
      %run_scoped3A = tpu.sem_alloc : memref<!tpu.dma_semaphore, #tpu.memory_space<semaphore_mem>>
      %dma_start3A_121 = tpu.memref_slice %arg7[%add3A_28] : memref<819200xi32, #tpu.memory_space<hbm>> -> memref<3200xi32, #tpu.memory_space<hbm>>
      %dma_start3A_122 = tpu.memref_slice %arg7[%add3A_28] : memref<819200xi32, #tpu.memory_space<hbm>> -> memref<3200xi32, #tpu.memory_space<hbm>>
      tpu.enqueue_dma source(%arg12 : memref<3200xi32, #tpu.memory_space<vmem>>) target(%dma_start3A_122 : memref<3200xi32, #tpu.memory_space<hbm>>) target_semaphore(%run_scoped3A : memref<!tpu.dma_semaphore, #tpu.memory_space<semaphore_mem>>)
      %dma_wait3A_123 = tpu.memref_slice %arg7[%add3A_28] : memref<819200xi32, #tpu.memory_space<hbm>> -> memref<3200xi32, #tpu.memory_space<hbm>>
      %dma_wait3A_124 = tpu.memref_slice %arg7[%add3A_28] : memref<819200xi32, #tpu.memory_space<hbm>> -> memref<3200xi32, #tpu.memory_space<hbm>>
      tpu.wait_dma2 semaphore(%run_scoped3A : memref<!tpu.dma_semaphore, #tpu.memory_space<semaphore_mem>>) src(%arg12 : memref<3200xi32, #tpu.memory_space<vmem>>) dst(%dma_wait3A_124 : memref<3200xi32, #tpu.memory_space<hbm>>)
      tpu.yield
    }) : () -> ()
    %add3A_29 = arith.constant 6400 : i32
    %add3A_30 = arith.addi %mul3A_2, %add3A_29 : i32
    "tpu.region"() ({
      %run_scoped3A = tpu.sem_alloc : memref<!tpu.dma_semaphore, #tpu.memory_space<semaphore_mem>>
      %dma_start3A_121 = tpu.memref_slice %arg4[%add3A_30] : memref<819200xi32, #tpu.memory_space<hbm>> -> memref<3200xi32, #tpu.memory_space<hbm>>
      %dma_start3A_122 = tpu.memref_slice %arg4[%add3A_30] : memref<819200xi32, #tpu.memory_space<hbm>> -> memref<3200xi32, #tpu.memory_space<hbm>>
      tpu.enqueue_dma source(%dma_start3A_122 : memref<3200xi32, #tpu.memory_space<hbm>>) target(%arg10 : memref<3200xi32, #tpu.memory_space<vmem>>) target_semaphore(%run_scoped3A : memref<!tpu.dma_semaphore, #tpu.memory_space<semaphore_mem>>)
      %dma_wait3A_123 = tpu.memref_slice %arg4[%add3A_30] : memref<819200xi32, #tpu.memory_space<hbm>> -> memref<3200xi32, #tpu.memory_space<hbm>>
      %dma_wait3A_124 = tpu.memref_slice %arg4[%add3A_30] : memref<819200xi32, #tpu.memory_space<hbm>> -> memref<3200xi32, #tpu.memory_space<hbm>>
      tpu.wait_dma2 semaphore(%run_scoped3A : memref<!tpu.dma_semaphore, #tpu.memory_space<semaphore_mem>>) src(%dma_wait3A_124 : memref<3200xi32, #tpu.memory_space<hbm>>) dst(%arg10 : memref<3200xi32, #tpu.memory_space<vmem>>)
      tpu.yield
    }) : () -> ()
    %dma_start3A_31 = arith.constant 0 : i32
    %dma_start3A_32 = tpu.memref_slice %arg2[%dma_start3A_31] : memref<1000000xi32, #tpu.memory_space<hbm>> -> memref<1000000xi32, #tpu.memory_space<hbm>>
    tpu.enqueue_indirect_dma source(%dma_start3A_32 : memref<1000000xi32, #tpu.memory_space<hbm>>) target(%arg11 : memref<3200xi32, #tpu.memory_space<vmem>>) offsets(%arg10 : memref<3200xi32, #tpu.memory_space<vmem>>) semaphore(%arg19 : memref<!tpu.dma_semaphore, #tpu.memory_space<semaphore_mem>>)
    %dma_start3A_33 = arith.constant 0 : i32
    %dma_start3A_34 = tpu.memref_slice %arg3[%dma_start3A_33] : memref<1000000xi32, #tpu.memory_space<hbm>> -> memref<1000000xi32, #tpu.memory_space<hbm>>
    tpu.enqueue_indirect_dma source(%dma_start3A_34 : memref<1000000xi32, #tpu.memory_space<hbm>>) target(%arg12 : memref<3200xi32, #tpu.memory_space<vmem>>) offsets(%arg10 : memref<3200xi32, #tpu.memory_space<vmem>>) semaphore(%arg20 : memref<!tpu.dma_semaphore, #tpu.memory_space<semaphore_mem>>)
    %dma_wait3A_35 = arith.constant 0 : i32
    %dma_wait3A_36 = tpu.memref_slice %arg2[%dma_wait3A_35] : memref<1000000xi32, #tpu.memory_space<hbm>> -> memref<1000000xi32, #tpu.memory_space<hbm>>
    tpu.wait_indirect_dma semaphore(%arg19 : memref<!tpu.dma_semaphore, #tpu.memory_space<semaphore_mem>>) src(%dma_wait3A_36 : memref<1000000xi32, #tpu.memory_space<hbm>>) dst(%arg14 : memref<3200xi32, #tpu.memory_space<vmem>>)
    %dma_wait3A_37 = arith.constant 0 : i32
    %dma_wait3A_38 = tpu.memref_slice %arg3[%dma_wait3A_37] : memref<1000000xi32, #tpu.memory_space<hbm>> -> memref<1000000xi32, #tpu.memory_space<hbm>>
    tpu.wait_indirect_dma semaphore(%arg20 : memref<!tpu.dma_semaphore, #tpu.memory_space<semaphore_mem>>) src(%dma_wait3A_38 : memref<1000000xi32, #tpu.memory_space<hbm>>) dst(%arg15 : memref<3200xi32, #tpu.memory_space<vmem>>)
    %add3A_39 = arith.constant 3200 : i32
    %add3A_40 = arith.addi %mul3A_2, %add3A_39 : i32
    "tpu.region"() ({
      %run_scoped3A = tpu.sem_alloc : memref<!tpu.dma_semaphore, #tpu.memory_space<semaphore_mem>>
      %dma_start3A_121 = tpu.memref_slice %arg6[%add3A_40] : memref<819200xi32, #tpu.memory_space<hbm>> -> memref<3200xi32, #tpu.memory_space<hbm>>
      %dma_start3A_122 = tpu.memref_slice %arg6[%add3A_40] : memref<819200xi32, #tpu.memory_space<hbm>> -> memref<3200xi32, #tpu.memory_space<hbm>>
      tpu.enqueue_dma source(%arg14 : memref<3200xi32, #tpu.memory_space<vmem>>) target(%dma_start3A_122 : memref<3200xi32, #tpu.memory_space<hbm>>) target_semaphore(%run_scoped3A : memref<!tpu.dma_semaphore, #tpu.memory_space<semaphore_mem>>)
      %dma_wait3A_123 = tpu.memref_slice %arg6[%add3A_40] : memref<819200xi32, #tpu.memory_space<hbm>> -> memref<3200xi32, #tpu.memory_space<hbm>>
      %dma_wait3A_124 = tpu.memref_slice %arg6[%add3A_40] : memref<819200xi32, #tpu.memory_space<hbm>> -> memref<3200xi32, #tpu.memory_space<hbm>>
      tpu.wait_dma2 semaphore(%run_scoped3A : memref<!tpu.dma_semaphore, #tpu.memory_space<semaphore_mem>>) src(%arg14 : memref<3200xi32, #tpu.memory_space<vmem>>) dst(%dma_wait3A_124 : memref<3200xi32, #tpu.memory_space<hbm>>)
      tpu.yield
    }) : () -> ()
    %add3A_41 = arith.constant 3200 : i32
    %add3A_42 = arith.addi %mul3A_2, %add3A_41 : i32
    "tpu.region"() ({
      %run_scoped3A = tpu.sem_alloc : memref<!tpu.dma_semaphore, #tpu.memory_space<semaphore_mem>>
      %dma_start3A_121 = tpu.memref_slice %arg7[%add3A_42] : memref<819200xi32, #tpu.memory_space<hbm>> -> memref<3200xi32, #tpu.memory_space<hbm>>
      %dma_start3A_122 = tpu.memref_slice %arg7[%add3A_42] : memref<819200xi32, #tpu.memory_space<hbm>> -> memref<3200xi32, #tpu.memory_space<hbm>>
      tpu.enqueue_dma source(%arg15 : memref<3200xi32, #tpu.memory_space<vmem>>) target(%dma_start3A_122 : memref<3200xi32, #tpu.memory_space<hbm>>) target_semaphore(%run_scoped3A : memref<!tpu.dma_semaphore, #tpu.memory_space<semaphore_mem>>)
      %dma_wait3A_123 = tpu.memref_slice %arg7[%add3A_42] : memref<819200xi32, #tpu.memory_space<hbm>> -> memref<3200xi32, #tpu.memory_space<hbm>>
      %dma_wait3A_124 = tpu.memref_slice %arg7[%add3A_42] : memref<819200xi32, #tpu.memory_space<hbm>> -> memref<3200xi32, #tpu.memory_space<hbm>>
      tpu.wait_dma2 semaphore(%run_scoped3A : memref<!tpu.dma_semaphore, #tpu.memory_space<semaphore_mem>>) src(%arg15 : memref<3200xi32, #tpu.memory_space<vmem>>) dst(%dma_wait3A_124 : memref<3200xi32, #tpu.memory_space<hbm>>)
      tpu.yield
    }) : () -> ()
    %add3A_43 = arith.constant 9600 : i32
    %add3A_44 = arith.addi %mul3A_2, %add3A_43 : i32
    "tpu.region"() ({
      %run_scoped3A = tpu.sem_alloc : memref<!tpu.dma_semaphore, #tpu.memory_space<semaphore_mem>>
      %dma_start3A_121 = tpu.memref_slice %arg4[%add3A_44] : memref<819200xi32, #tpu.memory_space<hbm>> -> memref<3200xi32, #tpu.memory_space<hbm>>
      %dma_start3A_122 = tpu.memref_slice %arg4[%add3A_44] : memref<819200xi32, #tpu.memory_space<hbm>> -> memref<3200xi32, #tpu.memory_space<hbm>>
      tpu.enqueue_dma source(%dma_start3A_122 : memref<3200xi32, #tpu.memory_space<hbm>>) target(%arg13 : memref<3200xi32, #tpu.memory_space<vmem>>) target_semaphore(%run_scoped3A : memref<!tpu.dma_semaphore, #tpu.memory_space<semaphore_mem>>)
      %dma_wait3A_123 = tpu.memref_slice %arg4[%add3A_44] : memref<819200xi32, #tpu.memory_space<hbm>> -> memref<3200xi32, #tpu.memory_space<hbm>>
      %dma_wait3A_124 = tpu.memref_slice %arg4[%add3A_44] : memref<819200xi32, #tpu.memory_space<hbm>> -> memref<3200xi32, #tpu.memory_space<hbm>>
      tpu.wait_dma2 semaphore(%run_scoped3A : memref<!tpu.dma_semaphore, #tpu.memory_space<semaphore_mem>>) src(%dma_wait3A_124 : memref<3200xi32, #tpu.memory_space<hbm>>) dst(%arg13 : memref<3200xi32, #tpu.memory_space<vmem>>)
      tpu.yield
    }) : () -> ()
    %dma_start3A_45 = arith.constant 0 : i32
    %dma_start3A_46 = tpu.memref_slice %arg2[%dma_start3A_45] : memref<1000000xi32, #tpu.memory_space<hbm>> -> memref<1000000xi32, #tpu.memory_space<hbm>>
    tpu.enqueue_indirect_dma source(%dma_start3A_46 : memref<1000000xi32, #tpu.memory_space<hbm>>) target(%arg14 : memref<3200xi32, #tpu.memory_space<vmem>>) offsets(%arg13 : memref<3200xi32, #tpu.memory_space<vmem>>) semaphore(%arg19 : memref<!tpu.dma_semaphore, #tpu.memory_space<semaphore_mem>>)
    %dma_start3A_47 = arith.constant 0 : i32
    %dma_start3A_48 = tpu.memref_slice %arg3[%dma_start3A_47] : memref<1000000xi32, #tpu.memory_space<hbm>> -> memref<1000000xi32, #tpu.memory_space<hbm>>
    tpu.enqueue_indirect_dma source(%dma_start3A_48 : memref<1000000xi32, #tpu.memory_space<hbm>>) target(%arg15 : memref<3200xi32, #tpu.memory_space<vmem>>) offsets(%arg13 : memref<3200xi32, #tpu.memory_space<vmem>>) semaphore(%arg20 : memref<!tpu.dma_semaphore, #tpu.memory_space<semaphore_mem>>)
    %dma_wait3A_49 = arith.constant 0 : i32
    %dma_wait3A_50 = tpu.memref_slice %arg2[%dma_wait3A_49] : memref<1000000xi32, #tpu.memory_space<hbm>> -> memref<1000000xi32, #tpu.memory_space<hbm>>
    tpu.wait_indirect_dma semaphore(%arg19 : memref<!tpu.dma_semaphore, #tpu.memory_space<semaphore_mem>>) src(%dma_wait3A_50 : memref<1000000xi32, #tpu.memory_space<hbm>>) dst(%arg11 : memref<3200xi32, #tpu.memory_space<vmem>>)
    %dma_wait3A_51 = arith.constant 0 : i32
    %dma_wait3A_52 = tpu.memref_slice %arg3[%dma_wait3A_51] : memref<1000000xi32, #tpu.memory_space<hbm>> -> memref<1000000xi32, #tpu.memory_space<hbm>>
    tpu.wait_indirect_dma semaphore(%arg20 : memref<!tpu.dma_semaphore, #tpu.memory_space<semaphore_mem>>) src(%dma_wait3A_52 : memref<1000000xi32, #tpu.memory_space<hbm>>) dst(%arg12 : memref<3200xi32, #tpu.memory_space<vmem>>)
    %add3A_53 = arith.constant 6400 : i32
    %add3A_54 = arith.addi %mul3A_2, %add3A_53 : i32
    "tpu.region"() ({
      %run_scoped3A = tpu.sem_alloc : memref<!tpu.dma_semaphore, #tpu.memory_space<semaphore_mem>>
      %dma_start3A_121 = tpu.memref_slice %arg6[%add3A_54] : memref<819200xi32, #tpu.memory_space<hbm>> -> memref<3200xi32, #tpu.memory_space<hbm>>
      %dma_start3A_122 = tpu.memref_slice %arg6[%add3A_54] : memref<819200xi32, #tpu.memory_space<hbm>> -> memref<3200xi32, #tpu.memory_space<hbm>>
      tpu.enqueue_dma source(%arg11 : memref<3200xi32, #tpu.memory_space<vmem>>) target(%dma_start3A_122 : memref<3200xi32, #tpu.memory_space<hbm>>) target_semaphore(%run_scoped3A : memref<!tpu.dma_semaphore, #tpu.memory_space<semaphore_mem>>)
      %dma_wait3A_123 = tpu.memref_slice %arg6[%add3A_54] : memref<819200xi32, #tpu.memory_space<hbm>> -> memref<3200xi32, #tpu.memory_space<hbm>>
      %dma_wait3A_124 = tpu.memref_slice %arg6[%add3A_54] : memref<819200xi32, #tpu.memory_space<hbm>> -> memref<3200xi32, #tpu.memory_space<hbm>>
      tpu.wait_dma2 semaphore(%run_scoped3A : memref<!tpu.dma_semaphore, #tpu.memory_space<semaphore_mem>>) src(%arg11 : memref<3200xi32, #tpu.memory_space<vmem>>) dst(%dma_wait3A_124 : memref<3200xi32, #tpu.memory_space<hbm>>)
      tpu.yield
    }) : () -> ()
    %add3A_55 = arith.constant 6400 : i32
    %add3A_56 = arith.addi %mul3A_2, %add3A_55 : i32
    "tpu.region"() ({
      %run_scoped3A = tpu.sem_alloc : memref<!tpu.dma_semaphore, #tpu.memory_space<semaphore_mem>>
      %dma_start3A_121 = tpu.memref_slice %arg7[%add3A_56] : memref<819200xi32, #tpu.memory_space<hbm>> -> memref<3200xi32, #tpu.memory_space<hbm>>
      %dma_start3A_122 = tpu.memref_slice %arg7[%add3A_56] : memref<819200xi32, #tpu.memory_space<hbm>> -> memref<3200xi32, #tpu.memory_space<hbm>>
      tpu.enqueue_dma source(%arg12 : memref<3200xi32, #tpu.memory_space<vmem>>) target(%dma_start3A_122 : memref<3200xi32, #tpu.memory_space<hbm>>) target_semaphore(%run_scoped3A : memref<!tpu.dma_semaphore, #tpu.memory_space<semaphore_mem>>)
      %dma_wait3A_123 = tpu.memref_slice %arg7[%add3A_56] : memref<819200xi32, #tpu.memory_space<hbm>> -> memref<3200xi32, #tpu.memory_space<hbm>>
      %dma_wait3A_124 = tpu.memref_slice %arg7[%add3A_56] : memref<819200xi32, #tpu.memory_space<hbm>> -> memref<3200xi32, #tpu.memory_space<hbm>>
      tpu.wait_dma2 semaphore(%run_scoped3A : memref<!tpu.dma_semaphore, #tpu.memory_space<semaphore_mem>>) src(%arg12 : memref<3200xi32, #tpu.memory_space<vmem>>) dst(%dma_wait3A_124 : memref<3200xi32, #tpu.memory_space<hbm>>)
      tpu.yield
    }) : () -> ()
    %add3A_57 = arith.constant 12800 : i32
    %add3A_58 = arith.addi %mul3A_2, %add3A_57 : i32
    "tpu.region"() ({
      %run_scoped3A = tpu.sem_alloc : memref<!tpu.dma_semaphore, #tpu.memory_space<semaphore_mem>>
      %dma_start3A_121 = tpu.memref_slice %arg4[%add3A_58] : memref<819200xi32, #tpu.memory_space<hbm>> -> memref<3200xi32, #tpu.memory_space<hbm>>
      %dma_start3A_122 = tpu.memref_slice %arg4[%add3A_58] : memref<819200xi32, #tpu.memory_space<hbm>> -> memref<3200xi32, #tpu.memory_space<hbm>>
      tpu.enqueue_dma source(%dma_start3A_122 : memref<3200xi32, #tpu.memory_space<hbm>>) target(%arg10 : memref<3200xi32, #tpu.memory_space<vmem>>) target_semaphore(%run_scoped3A : memref<!tpu.dma_semaphore, #tpu.memory_space<semaphore_mem>>)
      %dma_wait3A_123 = tpu.memref_slice %arg4[%add3A_58] : memref<819200xi32, #tpu.memory_space<hbm>> -> memref<3200xi32, #tpu.memory_space<hbm>>
      %dma_wait3A_124 = tpu.memref_slice %arg4[%add3A_58] : memref<819200xi32, #tpu.memory_space<hbm>> -> memref<3200xi32, #tpu.memory_space<hbm>>
      tpu.wait_dma2 semaphore(%run_scoped3A : memref<!tpu.dma_semaphore, #tpu.memory_space<semaphore_mem>>) src(%dma_wait3A_124 : memref<3200xi32, #tpu.memory_space<hbm>>) dst(%arg10 : memref<3200xi32, #tpu.memory_space<vmem>>)
      tpu.yield
    }) : () -> ()
    %dma_start3A_59 = arith.constant 0 : i32
    %dma_start3A_60 = tpu.memref_slice %arg2[%dma_start3A_59] : memref<1000000xi32, #tpu.memory_space<hbm>> -> memref<1000000xi32, #tpu.memory_space<hbm>>
    tpu.enqueue_indirect_dma source(%dma_start3A_60 : memref<1000000xi32, #tpu.memory_space<hbm>>) target(%arg11 : memref<3200xi32, #tpu.memory_space<vmem>>) offsets(%arg10 : memref<3200xi32, #tpu.memory_space<vmem>>) semaphore(%arg19 : memref<!tpu.dma_semaphore, #tpu.memory_space<semaphore_mem>>)
    %dma_start3A_61 = arith.constant 0 : i32
    %dma_start3A_62 = tpu.memref_slice %arg3[%dma_start3A_61] : memref<1000000xi32, #tpu.memory_space<hbm>> -> memref<1000000xi32, #tpu.memory_space<hbm>>
    tpu.enqueue_indirect_dma source(%dma_start3A_62 : memref<1000000xi32, #tpu.memory_space<hbm>>) target(%arg12 : memref<3200xi32, #tpu.memory_space<vmem>>) offsets(%arg10 : memref<3200xi32, #tpu.memory_space<vmem>>) semaphore(%arg20 : memref<!tpu.dma_semaphore, #tpu.memory_space<semaphore_mem>>)
    %dma_wait3A_63 = arith.constant 0 : i32
    %dma_wait3A_64 = tpu.memref_slice %arg2[%dma_wait3A_63] : memref<1000000xi32, #tpu.memory_space<hbm>> -> memref<1000000xi32, #tpu.memory_space<hbm>>
    tpu.wait_indirect_dma semaphore(%arg19 : memref<!tpu.dma_semaphore, #tpu.memory_space<semaphore_mem>>) src(%dma_wait3A_64 : memref<1000000xi32, #tpu.memory_space<hbm>>) dst(%arg14 : memref<3200xi32, #tpu.memory_space<vmem>>)
    %dma_wait3A_65 = arith.constant 0 : i32
    %dma_wait3A_66 = tpu.memref_slice %arg3[%dma_wait3A_65] : memref<1000000xi32, #tpu.memory_space<hbm>> -> memref<1000000xi32, #tpu.memory_space<hbm>>
    tpu.wait_indirect_dma semaphore(%arg20 : memref<!tpu.dma_semaphore, #tpu.memory_space<semaphore_mem>>) src(%dma_wait3A_66 : memref<1000000xi32, #tpu.memory_space<hbm>>) dst(%arg15 : memref<3200xi32, #tpu.memory_space<vmem>>)
    %add3A_67 = arith.constant 9600 : i32
    %add3A_68 = arith.addi %mul3A_2, %add3A_67 : i32
    "tpu.region"() ({
      %run_scoped3A = tpu.sem_alloc : memref<!tpu.dma_semaphore, #tpu.memory_space<semaphore_mem>>
      %dma_start3A_121 = tpu.memref_slice %arg6[%add3A_68] : memref<819200xi32, #tpu.memory_space<hbm>> -> memref<3200xi32, #tpu.memory_space<hbm>>
      %dma_start3A_122 = tpu.memref_slice %arg6[%add3A_68] : memref<819200xi32, #tpu.memory_space<hbm>> -> memref<3200xi32, #tpu.memory_space<hbm>>
      tpu.enqueue_dma source(%arg14 : memref<3200xi32, #tpu.memory_space<vmem>>) target(%dma_start3A_122 : memref<3200xi32, #tpu.memory_space<hbm>>) target_semaphore(%run_scoped3A : memref<!tpu.dma_semaphore, #tpu.memory_space<semaphore_mem>>)
      %dma_wait3A_123 = tpu.memref_slice %arg6[%add3A_68] : memref<819200xi32, #tpu.memory_space<hbm>> -> memref<3200xi32, #tpu.memory_space<hbm>>
      %dma_wait3A_124 = tpu.memref_slice %arg6[%add3A_68] : memref<819200xi32, #tpu.memory_space<hbm>> -> memref<3200xi32, #tpu.memory_space<hbm>>
      tpu.wait_dma2 semaphore(%run_scoped3A : memref<!tpu.dma_semaphore, #tpu.memory_space<semaphore_mem>>) src(%arg14 : memref<3200xi32, #tpu.memory_space<vmem>>) dst(%dma_wait3A_124 : memref<3200xi32, #tpu.memory_space<hbm>>)
      tpu.yield
    }) : () -> ()
    %add3A_69 = arith.constant 9600 : i32
    %add3A_70 = arith.addi %mul3A_2, %add3A_69 : i32
    "tpu.region"() ({
      %run_scoped3A = tpu.sem_alloc : memref<!tpu.dma_semaphore, #tpu.memory_space<semaphore_mem>>
      %dma_start3A_121 = tpu.memref_slice %arg7[%add3A_70] : memref<819200xi32, #tpu.memory_space<hbm>> -> memref<3200xi32, #tpu.memory_space<hbm>>
      %dma_start3A_122 = tpu.memref_slice %arg7[%add3A_70] : memref<819200xi32, #tpu.memory_space<hbm>> -> memref<3200xi32, #tpu.memory_space<hbm>>
      tpu.enqueue_dma source(%arg15 : memref<3200xi32, #tpu.memory_space<vmem>>) target(%dma_start3A_122 : memref<3200xi32, #tpu.memory_space<hbm>>) target_semaphore(%run_scoped3A : memref<!tpu.dma_semaphore, #tpu.memory_space<semaphore_mem>>)
      %dma_wait3A_123 = tpu.memref_slice %arg7[%add3A_70] : memref<819200xi32, #tpu.memory_space<hbm>> -> memref<3200xi32, #tpu.memory_space<hbm>>
      %dma_wait3A_124 = tpu.memref_slice %arg7[%add3A_70] : memref<819200xi32, #tpu.memory_space<hbm>> -> memref<3200xi32, #tpu.memory_space<hbm>>
      tpu.wait_dma2 semaphore(%run_scoped3A : memref<!tpu.dma_semaphore, #tpu.memory_space<semaphore_mem>>) src(%arg15 : memref<3200xi32, #tpu.memory_space<vmem>>) dst(%dma_wait3A_124 : memref<3200xi32, #tpu.memory_space<hbm>>)
      tpu.yield
    }) : () -> ()
    %add3A_71 = arith.constant 16000 : i32
    %add3A_72 = arith.addi %mul3A_2, %add3A_71 : i32
    "tpu.region"() ({
      %run_scoped3A = tpu.sem_alloc : memref<!tpu.dma_semaphore, #tpu.memory_space<semaphore_mem>>
      %dma_start3A_121 = tpu.memref_slice %arg4[%add3A_72] : memref<819200xi32, #tpu.memory_space<hbm>> -> memref<3200xi32, #tpu.memory_space<hbm>>
      %dma_start3A_122 = tpu.memref_slice %arg4[%add3A_72] : memref<819200xi32, #tpu.memory_space<hbm>> -> memref<3200xi32, #tpu.memory_space<hbm>>
      tpu.enqueue_dma source(%dma_start3A_122 : memref<3200xi32, #tpu.memory_space<hbm>>) target(%arg13 : memref<3200xi32, #tpu.memory_space<vmem>>) target_semaphore(%run_scoped3A : memref<!tpu.dma_semaphore, #tpu.memory_space<semaphore_mem>>)
      %dma_wait3A_123 = tpu.memref_slice %arg4[%add3A_72] : memref<819200xi32, #tpu.memory_space<hbm>> -> memref<3200xi32, #tpu.memory_space<hbm>>
      %dma_wait3A_124 = tpu.memref_slice %arg4[%add3A_72] : memref<819200xi32, #tpu.memory_space<hbm>> -> memref<3200xi32, #tpu.memory_space<hbm>>
      tpu.wait_dma2 semaphore(%run_scoped3A : memref<!tpu.dma_semaphore, #tpu.memory_space<semaphore_mem>>) src(%dma_wait3A_124 : memref<3200xi32, #tpu.memory_space<hbm>>) dst(%arg13 : memref<3200xi32, #tpu.memory_space<vmem>>)
      tpu.yield
    }) : () -> ()
    %dma_start3A_73 = arith.constant 0 : i32
    %dma_start3A_74 = tpu.memref_slice %arg2[%dma_start3A_73] : memref<1000000xi32, #tpu.memory_space<hbm>> -> memref<1000000xi32, #tpu.memory_space<hbm>>
    tpu.enqueue_indirect_dma source(%dma_start3A_74 : memref<1000000xi32, #tpu.memory_space<hbm>>) target(%arg14 : memref<3200xi32, #tpu.memory_space<vmem>>) offsets(%arg13 : memref<3200xi32, #tpu.memory_space<vmem>>) semaphore(%arg19 : memref<!tpu.dma_semaphore, #tpu.memory_space<semaphore_mem>>)
    %dma_start3A_75 = arith.constant 0 : i32
    %dma_start3A_76 = tpu.memref_slice %arg3[%dma_start3A_75] : memref<1000000xi32, #tpu.memory_space<hbm>> -> memref<1000000xi32, #tpu.memory_space<hbm>>
    tpu.enqueue_indirect_dma source(%dma_start3A_76 : memref<1000000xi32, #tpu.memory_space<hbm>>) target(%arg15 : memref<3200xi32, #tpu.memory_space<vmem>>) offsets(%arg13 : memref<3200xi32, #tpu.memory_space<vmem>>) semaphore(%arg20 : memref<!tpu.dma_semaphore, #tpu.memory_space<semaphore_mem>>)
    %dma_wait3A_77 = arith.constant 0 : i32
    %dma_wait3A_78 = tpu.memref_slice %arg2[%dma_wait3A_77] : memref<1000000xi32, #tpu.memory_space<hbm>> -> memref<1000000xi32, #tpu.memory_space<hbm>>
    tpu.wait_indirect_dma semaphore(%arg19 : memref<!tpu.dma_semaphore, #tpu.memory_space<semaphore_mem>>) src(%dma_wait3A_78 : memref<1000000xi32, #tpu.memory_space<hbm>>) dst(%arg11 : memref<3200xi32, #tpu.memory_space<vmem>>)
    %dma_wait3A_79 = arith.constant 0 : i32
    %dma_wait3A_80 = tpu.memref_slice %arg3[%dma_wait3A_79] : memref<1000000xi32, #tpu.memory_space<hbm>> -> memref<1000000xi32, #tpu.memory_space<hbm>>
    tpu.wait_indirect_dma semaphore(%arg20 : memref<!tpu.dma_semaphore, #tpu.memory_space<semaphore_mem>>) src(%dma_wait3A_80 : memref<1000000xi32, #tpu.memory_space<hbm>>) dst(%arg12 : memref<3200xi32, #tpu.memory_space<vmem>>)
    %add3A_81 = arith.constant 12800 : i32
    %add3A_82 = arith.addi %mul3A_2, %add3A_81 : i32
    "tpu.region"() ({
      %run_scoped3A = tpu.sem_alloc : memref<!tpu.dma_semaphore, #tpu.memory_space<semaphore_mem>>
      %dma_start3A_121 = tpu.memref_slice %arg6[%add3A_82] : memref<819200xi32, #tpu.memory_space<hbm>> -> memref<3200xi32, #tpu.memory_space<hbm>>
      %dma_start3A_122 = tpu.memref_slice %arg6[%add3A_82] : memref<819200xi32, #tpu.memory_space<hbm>> -> memref<3200xi32, #tpu.memory_space<hbm>>
      tpu.enqueue_dma source(%arg11 : memref<3200xi32, #tpu.memory_space<vmem>>) target(%dma_start3A_122 : memref<3200xi32, #tpu.memory_space<hbm>>) target_semaphore(%run_scoped3A : memref<!tpu.dma_semaphore, #tpu.memory_space<semaphore_mem>>)
      %dma_wait3A_123 = tpu.memref_slice %arg6[%add3A_82] : memref<819200xi32, #tpu.memory_space<hbm>> -> memref<3200xi32, #tpu.memory_space<hbm>>
      %dma_wait3A_124 = tpu.memref_slice %arg6[%add3A_82] : memref<819200xi32, #tpu.memory_space<hbm>> -> memref<3200xi32, #tpu.memory_space<hbm>>
      tpu.wait_dma2 semaphore(%run_scoped3A : memref<!tpu.dma_semaphore, #tpu.memory_space<semaphore_mem>>) src(%arg11 : memref<3200xi32, #tpu.memory_space<vmem>>) dst(%dma_wait3A_124 : memref<3200xi32, #tpu.memory_space<hbm>>)
      tpu.yield
    }) : () -> ()
    %add3A_83 = arith.constant 12800 : i32
    %add3A_84 = arith.addi %mul3A_2, %add3A_83 : i32
    "tpu.region"() ({
      %run_scoped3A = tpu.sem_alloc : memref<!tpu.dma_semaphore, #tpu.memory_space<semaphore_mem>>
      %dma_start3A_121 = tpu.memref_slice %arg7[%add3A_84] : memref<819200xi32, #tpu.memory_space<hbm>> -> memref<3200xi32, #tpu.memory_space<hbm>>
      %dma_start3A_122 = tpu.memref_slice %arg7[%add3A_84] : memref<819200xi32, #tpu.memory_space<hbm>> -> memref<3200xi32, #tpu.memory_space<hbm>>
      tpu.enqueue_dma source(%arg12 : memref<3200xi32, #tpu.memory_space<vmem>>) target(%dma_start3A_122 : memref<3200xi32, #tpu.memory_space<hbm>>) target_semaphore(%run_scoped3A : memref<!tpu.dma_semaphore, #tpu.memory_space<semaphore_mem>>)
      %dma_wait3A_123 = tpu.memref_slice %arg7[%add3A_84] : memref<819200xi32, #tpu.memory_space<hbm>> -> memref<3200xi32, #tpu.memory_space<hbm>>
      %dma_wait3A_124 = tpu.memref_slice %arg7[%add3A_84] : memref<819200xi32, #tpu.memory_space<hbm>> -> memref<3200xi32, #tpu.memory_space<hbm>>
      tpu.wait_dma2 semaphore(%run_scoped3A : memref<!tpu.dma_semaphore, #tpu.memory_space<semaphore_mem>>) src(%arg12 : memref<3200xi32, #tpu.memory_space<vmem>>) dst(%dma_wait3A_124 : memref<3200xi32, #tpu.memory_space<hbm>>)
      tpu.yield
    }) : () -> ()
    %add3A_85 = arith.constant 19200 : i32
    %add3A_86 = arith.addi %mul3A_2, %add3A_85 : i32
    "tpu.region"() ({
      %run_scoped3A = tpu.sem_alloc : memref<!tpu.dma_semaphore, #tpu.memory_space<semaphore_mem>>
      %dma_start3A_121 = tpu.memref_slice %arg4[%add3A_86] : memref<819200xi32, #tpu.memory_space<hbm>> -> memref<3200xi32, #tpu.memory_space<hbm>>
      %dma_start3A_122 = tpu.memref_slice %arg4[%add3A_86] : memref<819200xi32, #tpu.memory_space<hbm>> -> memref<3200xi32, #tpu.memory_space<hbm>>
      tpu.enqueue_dma source(%dma_start3A_122 : memref<3200xi32, #tpu.memory_space<hbm>>) target(%arg10 : memref<3200xi32, #tpu.memory_space<vmem>>) target_semaphore(%run_scoped3A : memref<!tpu.dma_semaphore, #tpu.memory_space<semaphore_mem>>)
      %dma_wait3A_123 = tpu.memref_slice %arg4[%add3A_86] : memref<819200xi32, #tpu.memory_space<hbm>> -> memref<3200xi32, #tpu.memory_space<hbm>>
      %dma_wait3A_124 = tpu.memref_slice %arg4[%add3A_86] : memref<819200xi32, #tpu.memory_space<hbm>> -> memref<3200xi32, #tpu.memory_space<hbm>>
      tpu.wait_dma2 semaphore(%run_scoped3A : memref<!tpu.dma_semaphore, #tpu.memory_space<semaphore_mem>>) src(%dma_wait3A_124 : memref<3200xi32, #tpu.memory_space<hbm>>) dst(%arg10 : memref<3200xi32, #tpu.memory_space<vmem>>)
      tpu.yield
    }) : () -> ()
    %dma_start3A_87 = arith.constant 0 : i32
    %dma_start3A_88 = tpu.memref_slice %arg2[%dma_start3A_87] : memref<1000000xi32, #tpu.memory_space<hbm>> -> memref<1000000xi32, #tpu.memory_space<hbm>>
    tpu.enqueue_indirect_dma source(%dma_start3A_88 : memref<1000000xi32, #tpu.memory_space<hbm>>) target(%arg11 : memref<3200xi32, #tpu.memory_space<vmem>>) offsets(%arg10 : memref<3200xi32, #tpu.memory_space<vmem>>) semaphore(%arg19 : memref<!tpu.dma_semaphore, #tpu.memory_space<semaphore_mem>>)
    %dma_start3A_89 = arith.constant 0 : i32
    %dma_start3A_90 = tpu.memref_slice %arg3[%dma_start3A_89] : memref<1000000xi32, #tpu.memory_space<hbm>> -> memref<1000000xi32, #tpu.memory_space<hbm>>
    tpu.enqueue_indirect_dma source(%dma_start3A_90 : memref<1000000xi32, #tpu.memory_space<hbm>>) target(%arg12 : memref<3200xi32, #tpu.memory_space<vmem>>) offsets(%arg10 : memref<3200xi32, #tpu.memory_space<vmem>>) semaphore(%arg20 : memref<!tpu.dma_semaphore, #tpu.memory_space<semaphore_mem>>)
    %dma_wait3A_91 = arith.constant 0 : i32
    %dma_wait3A_92 = tpu.memref_slice %arg2[%dma_wait3A_91] : memref<1000000xi32, #tpu.memory_space<hbm>> -> memref<1000000xi32, #tpu.memory_space<hbm>>
    tpu.wait_indirect_dma semaphore(%arg19 : memref<!tpu.dma_semaphore, #tpu.memory_space<semaphore_mem>>) src(%dma_wait3A_92 : memref<1000000xi32, #tpu.memory_space<hbm>>) dst(%arg14 : memref<3200xi32, #tpu.memory_space<vmem>>)
    %dma_wait3A_93 = arith.constant 0 : i32
    %dma_wait3A_94 = tpu.memref_slice %arg3[%dma_wait3A_93] : memref<1000000xi32, #tpu.memory_space<hbm>> -> memref<1000000xi32, #tpu.memory_space<hbm>>
    tpu.wait_indirect_dma semaphore(%arg20 : memref<!tpu.dma_semaphore, #tpu.memory_space<semaphore_mem>>) src(%dma_wait3A_94 : memref<1000000xi32, #tpu.memory_space<hbm>>) dst(%arg15 : memref<3200xi32, #tpu.memory_space<vmem>>)
    %add3A_95 = arith.constant 16000 : i32
    %add3A_96 = arith.addi %mul3A_2, %add3A_95 : i32
    "tpu.region"() ({
      %run_scoped3A = tpu.sem_alloc : memref<!tpu.dma_semaphore, #tpu.memory_space<semaphore_mem>>
      %dma_start3A_121 = tpu.memref_slice %arg6[%add3A_96] : memref<819200xi32, #tpu.memory_space<hbm>> -> memref<3200xi32, #tpu.memory_space<hbm>>
      %dma_start3A_122 = tpu.memref_slice %arg6[%add3A_96] : memref<819200xi32, #tpu.memory_space<hbm>> -> memref<3200xi32, #tpu.memory_space<hbm>>
      tpu.enqueue_dma source(%arg14 : memref<3200xi32, #tpu.memory_space<vmem>>) target(%dma_start3A_122 : memref<3200xi32, #tpu.memory_space<hbm>>) target_semaphore(%run_scoped3A : memref<!tpu.dma_semaphore, #tpu.memory_space<semaphore_mem>>)
      %dma_wait3A_123 = tpu.memref_slice %arg6[%add3A_96] : memref<819200xi32, #tpu.memory_space<hbm>> -> memref<3200xi32, #tpu.memory_space<hbm>>
      %dma_wait3A_124 = tpu.memref_slice %arg6[%add3A_96] : memref<819200xi32, #tpu.memory_space<hbm>> -> memref<3200xi32, #tpu.memory_space<hbm>>
      tpu.wait_dma2 semaphore(%run_scoped3A : memref<!tpu.dma_semaphore, #tpu.memory_space<semaphore_mem>>) src(%arg14 : memref<3200xi32, #tpu.memory_space<vmem>>) dst(%dma_wait3A_124 : memref<3200xi32, #tpu.memory_space<hbm>>)
      tpu.yield
    }) : () -> ()
    %add3A_97 = arith.constant 16000 : i32
    %add3A_98 = arith.addi %mul3A_2, %add3A_97 : i32
    "tpu.region"() ({
      %run_scoped3A = tpu.sem_alloc : memref<!tpu.dma_semaphore, #tpu.memory_space<semaphore_mem>>
      %dma_start3A_121 = tpu.memref_slice %arg7[%add3A_98] : memref<819200xi32, #tpu.memory_space<hbm>> -> memref<3200xi32, #tpu.memory_space<hbm>>
      %dma_start3A_122 = tpu.memref_slice %arg7[%add3A_98] : memref<819200xi32, #tpu.memory_space<hbm>> -> memref<3200xi32, #tpu.memory_space<hbm>>
      tpu.enqueue_dma source(%arg15 : memref<3200xi32, #tpu.memory_space<vmem>>) target(%dma_start3A_122 : memref<3200xi32, #tpu.memory_space<hbm>>) target_semaphore(%run_scoped3A : memref<!tpu.dma_semaphore, #tpu.memory_space<semaphore_mem>>)
      %dma_wait3A_123 = tpu.memref_slice %arg7[%add3A_98] : memref<819200xi32, #tpu.memory_space<hbm>> -> memref<3200xi32, #tpu.memory_space<hbm>>
      %dma_wait3A_124 = tpu.memref_slice %arg7[%add3A_98] : memref<819200xi32, #tpu.memory_space<hbm>> -> memref<3200xi32, #tpu.memory_space<hbm>>
      tpu.wait_dma2 semaphore(%run_scoped3A : memref<!tpu.dma_semaphore, #tpu.memory_space<semaphore_mem>>) src(%arg15 : memref<3200xi32, #tpu.memory_space<vmem>>) dst(%dma_wait3A_124 : memref<3200xi32, #tpu.memory_space<hbm>>)
      tpu.yield
    }) : () -> ()
    %add3A_99 = arith.constant 22400 : i32
    %add3A_100 = arith.addi %mul3A_2, %add3A_99 : i32
    "tpu.region"() ({
      %run_scoped3A = tpu.sem_alloc : memref<!tpu.dma_semaphore, #tpu.memory_space<semaphore_mem>>
      %dma_start3A_121 = tpu.memref_slice %arg4[%add3A_100] : memref<819200xi32, #tpu.memory_space<hbm>> -> memref<3200xi32, #tpu.memory_space<hbm>>
      %dma_start3A_122 = tpu.memref_slice %arg4[%add3A_100] : memref<819200xi32, #tpu.memory_space<hbm>> -> memref<3200xi32, #tpu.memory_space<hbm>>
      tpu.enqueue_dma source(%dma_start3A_122 : memref<3200xi32, #tpu.memory_space<hbm>>) target(%arg13 : memref<3200xi32, #tpu.memory_space<vmem>>) target_semaphore(%run_scoped3A : memref<!tpu.dma_semaphore, #tpu.memory_space<semaphore_mem>>)
      %dma_wait3A_123 = tpu.memref_slice %arg4[%add3A_100] : memref<819200xi32, #tpu.memory_space<hbm>> -> memref<3200xi32, #tpu.memory_space<hbm>>
      %dma_wait3A_124 = tpu.memref_slice %arg4[%add3A_100] : memref<819200xi32, #tpu.memory_space<hbm>> -> memref<3200xi32, #tpu.memory_space<hbm>>
      tpu.wait_dma2 semaphore(%run_scoped3A : memref<!tpu.dma_semaphore, #tpu.memory_space<semaphore_mem>>) src(%dma_wait3A_124 : memref<3200xi32, #tpu.memory_space<hbm>>) dst(%arg13 : memref<3200xi32, #tpu.memory_space<vmem>>)
      tpu.yield
    }) : () -> ()
    %dma_start3A_101 = arith.constant 0 : i32
    %dma_start3A_102 = tpu.memref_slice %arg2[%dma_start3A_101] : memref<1000000xi32, #tpu.memory_space<hbm>> -> memref<1000000xi32, #tpu.memory_space<hbm>>
    tpu.enqueue_indirect_dma source(%dma_start3A_102 : memref<1000000xi32, #tpu.memory_space<hbm>>) target(%arg14 : memref<3200xi32, #tpu.memory_space<vmem>>) offsets(%arg13 : memref<3200xi32, #tpu.memory_space<vmem>>) semaphore(%arg19 : memref<!tpu.dma_semaphore, #tpu.memory_space<semaphore_mem>>)
    %dma_start3A_103 = arith.constant 0 : i32
    %dma_start3A_104 = tpu.memref_slice %arg3[%dma_start3A_103] : memref<1000000xi32, #tpu.memory_space<hbm>> -> memref<1000000xi32, #tpu.memory_space<hbm>>
    tpu.enqueue_indirect_dma source(%dma_start3A_104 : memref<1000000xi32, #tpu.memory_space<hbm>>) target(%arg15 : memref<3200xi32, #tpu.memory_space<vmem>>) offsets(%arg13 : memref<3200xi32, #tpu.memory_space<vmem>>) semaphore(%arg20 : memref<!tpu.dma_semaphore, #tpu.memory_space<semaphore_mem>>)
    %dma_wait3A_105 = arith.constant 0 : i32
    %dma_wait3A_106 = tpu.memref_slice %arg2[%dma_wait3A_105] : memref<1000000xi32, #tpu.memory_space<hbm>> -> memref<1000000xi32, #tpu.memory_space<hbm>>
    tpu.wait_indirect_dma semaphore(%arg19 : memref<!tpu.dma_semaphore, #tpu.memory_space<semaphore_mem>>) src(%dma_wait3A_106 : memref<1000000xi32, #tpu.memory_space<hbm>>) dst(%arg11 : memref<3200xi32, #tpu.memory_space<vmem>>)
    %dma_wait3A_107 = arith.constant 0 : i32
    %dma_wait3A_108 = tpu.memref_slice %arg3[%dma_wait3A_107] : memref<1000000xi32, #tpu.memory_space<hbm>> -> memref<1000000xi32, #tpu.memory_space<hbm>>
    tpu.wait_indirect_dma semaphore(%arg20 : memref<!tpu.dma_semaphore, #tpu.memory_space<semaphore_mem>>) src(%dma_wait3A_108 : memref<1000000xi32, #tpu.memory_space<hbm>>) dst(%arg12 : memref<3200xi32, #tpu.memory_space<vmem>>)
    %add3A_109 = arith.constant 19200 : i32
    %add3A_110 = arith.addi %mul3A_2, %add3A_109 : i32
    "tpu.region"() ({
      %run_scoped3A = tpu.sem_alloc : memref<!tpu.dma_semaphore, #tpu.memory_space<semaphore_mem>>
      %dma_start3A_121 = tpu.memref_slice %arg6[%add3A_110] : memref<819200xi32, #tpu.memory_space<hbm>> -> memref<3200xi32, #tpu.memory_space<hbm>>
      %dma_start3A_122 = tpu.memref_slice %arg6[%add3A_110] : memref<819200xi32, #tpu.memory_space<hbm>> -> memref<3200xi32, #tpu.memory_space<hbm>>
      tpu.enqueue_dma source(%arg11 : memref<3200xi32, #tpu.memory_space<vmem>>) target(%dma_start3A_122 : memref<3200xi32, #tpu.memory_space<hbm>>) target_semaphore(%run_scoped3A : memref<!tpu.dma_semaphore, #tpu.memory_space<semaphore_mem>>)
      %dma_wait3A_123 = tpu.memref_slice %arg6[%add3A_110] : memref<819200xi32, #tpu.memory_space<hbm>> -> memref<3200xi32, #tpu.memory_space<hbm>>
      %dma_wait3A_124 = tpu.memref_slice %arg6[%add3A_110] : memref<819200xi32, #tpu.memory_space<hbm>> -> memref<3200xi32, #tpu.memory_space<hbm>>
      tpu.wait_dma2 semaphore(%run_scoped3A : memref<!tpu.dma_semaphore, #tpu.memory_space<semaphore_mem>>) src(%arg11 : memref<3200xi32, #tpu.memory_space<vmem>>) dst(%dma_wait3A_124 : memref<3200xi32, #tpu.memory_space<hbm>>)
      tpu.yield
    }) : () -> ()
    %add3A_111 = arith.constant 19200 : i32
    %add3A_112 = arith.addi %mul3A_2, %add3A_111 : i32
    "tpu.region"() ({
      %run_scoped3A = tpu.sem_alloc : memref<!tpu.dma_semaphore, #tpu.memory_space<semaphore_mem>>
      %dma_start3A_121 = tpu.memref_slice %arg7[%add3A_112] : memref<819200xi32, #tpu.memory_space<hbm>> -> memref<3200xi32, #tpu.memory_space<hbm>>
      %dma_start3A_122 = tpu.memref_slice %arg7[%add3A_112] : memref<819200xi32, #tpu.memory_space<hbm>> -> memref<3200xi32, #tpu.memory_space<hbm>>
      tpu.enqueue_dma source(%arg12 : memref<3200xi32, #tpu.memory_space<vmem>>) target(%dma_start3A_122 : memref<3200xi32, #tpu.memory_space<hbm>>) target_semaphore(%run_scoped3A : memref<!tpu.dma_semaphore, #tpu.memory_space<semaphore_mem>>)
      %dma_wait3A_123 = tpu.memref_slice %arg7[%add3A_112] : memref<819200xi32, #tpu.memory_space<hbm>> -> memref<3200xi32, #tpu.memory_space<hbm>>
      %dma_wait3A_124 = tpu.memref_slice %arg7[%add3A_112] : memref<819200xi32, #tpu.memory_space<hbm>> -> memref<3200xi32, #tpu.memory_space<hbm>>
      tpu.wait_dma2 semaphore(%run_scoped3A : memref<!tpu.dma_semaphore, #tpu.memory_space<semaphore_mem>>) src(%arg12 : memref<3200xi32, #tpu.memory_space<vmem>>) dst(%dma_wait3A_124 : memref<3200xi32, #tpu.memory_space<hbm>>)
      tpu.yield
    }) : () -> ()
    %dma_wait3A_113 = arith.constant 0 : i32
    %dma_wait3A_114 = tpu.memref_slice %arg2[%dma_wait3A_113] : memref<1000000xi32, #tpu.memory_space<hbm>> -> memref<1000000xi32, #tpu.memory_space<hbm>>
    tpu.wait_indirect_dma semaphore(%arg19 : memref<!tpu.dma_semaphore, #tpu.memory_space<semaphore_mem>>) src(%dma_wait3A_114 : memref<1000000xi32, #tpu.memory_space<hbm>>) dst(%arg14 : memref<3200xi32, #tpu.memory_space<vmem>>)
    %dma_wait3A_115 = arith.constant 0 : i32
    %dma_wait3A_116 = tpu.memref_slice %arg3[%dma_wait3A_115] : memref<1000000xi32, #tpu.memory_space<hbm>> -> memref<1000000xi32, #tpu.memory_space<hbm>>
    tpu.wait_indirect_dma semaphore(%arg20 : memref<!tpu.dma_semaphore, #tpu.memory_space<semaphore_mem>>) src(%dma_wait3A_116 : memref<1000000xi32, #tpu.memory_space<hbm>>) dst(%arg15 : memref<3200xi32, #tpu.memory_space<vmem>>)
    %add3A_117 = arith.constant 22400 : i32
    %add3A_118 = arith.addi %mul3A_2, %add3A_117 : i32
    "tpu.region"() ({
      %run_scoped3A = tpu.sem_alloc : memref<!tpu.dma_semaphore, #tpu.memory_space<semaphore_mem>>
      %dma_start3A_121 = tpu.memref_slice %arg6[%add3A_118] : memref<819200xi32, #tpu.memory_space<hbm>> -> memref<3200xi32, #tpu.memory_space<hbm>>
      %dma_start3A_122 = tpu.memref_slice %arg6[%add3A_118] : memref<819200xi32, #tpu.memory_space<hbm>> -> memref<3200xi32, #tpu.memory_space<hbm>>
      tpu.enqueue_dma source(%arg14 : memref<3200xi32, #tpu.memory_space<vmem>>) target(%dma_start3A_122 : memref<3200xi32, #tpu.memory_space<hbm>>) target_semaphore(%run_scoped3A : memref<!tpu.dma_semaphore, #tpu.memory_space<semaphore_mem>>)
      %dma_wait3A_123 = tpu.memref_slice %arg6[%add3A_118] : memref<819200xi32, #tpu.memory_space<hbm>> -> memref<3200xi32, #tpu.memory_space<hbm>>
      %dma_wait3A_124 = tpu.memref_slice %arg6[%add3A_118] : memref<819200xi32, #tpu.memory_space<hbm>> -> memref<3200xi32, #tpu.memory_space<hbm>>
      tpu.wait_dma2 semaphore(%run_scoped3A : memref<!tpu.dma_semaphore, #tpu.memory_space<semaphore_mem>>) src(%arg14 : memref<3200xi32, #tpu.memory_space<vmem>>) dst(%dma_wait3A_124 : memref<3200xi32, #tpu.memory_space<hbm>>)
      tpu.yield
    }) : () -> ()
    %add3A_119 = arith.constant 22400 : i32
    %add3A_120 = arith.addi %mul3A_2, %add3A_119 : i32
    "tpu.region"() ({
      %run_scoped3A = tpu.sem_alloc : memref<!tpu.dma_semaphore, #tpu.memory_space<semaphore_mem>>
      %dma_start3A_121 = tpu.memref_slice %arg7[%add3A_120] : memref<819200xi32, #tpu.memory_space<hbm>> -> memref<3200xi32, #tpu.memory_space<hbm>>
      %dma_start3A_122 = tpu.memref_slice %arg7[%add3A_120] : memref<819200xi32, #tpu.memory_space<hbm>> -> memref<3200xi32, #tpu.memory_space<hbm>>
      tpu.enqueue_dma source(%arg15 : memref<3200xi32, #tpu.memory_space<vmem>>) target(%dma_start3A_122 : memref<3200xi32, #tpu.memory_space<hbm>>) target_semaphore(%run_scoped3A : memref<!tpu.dma_semaphore, #tpu.memory_space<semaphore_mem>>)
      %dma_wait3A_123 = tpu.memref_slice %arg7[%add3A_120] : memref<819200xi32, #tpu.memory_space<hbm>> -> memref<3200xi32, #tpu.memory_space<hbm>>
      %dma_wait3A_124 = tpu.memref_slice %arg7[%add3A_120] : memref<819200xi32, #tpu.memory_space<hbm>> -> memref<3200xi32, #tpu.memory_space<hbm>>
      tpu.wait_dma2 semaphore(%run_scoped3A : memref<!tpu.dma_semaphore, #tpu.memory_space<semaphore_mem>>) src(%arg15 : memref<3200xi32, #tpu.memory_space<vmem>>) dst(%dma_wait3A_124 : memref<3200xi32, #tpu.memory_space<hbm>>)
      tpu.yield
    }) : () -> ()
    return
  }
}

module attributes {stable_mosaic.version = 14 : i64} {
  func.func @_attn_body(%arg0: i32, %arg1: memref<1x1x12800xi32, #tpu.memory_space<vmem>>, %arg2: memref<1x1x12800xi32, #tpu.memory_space<vmem>>, %arg3: memref<1x1x64xi32, #tpu.memory_space<vmem>>, %arg4: memref<1x1x64xi32, #tpu.memory_space<vmem>>, %arg5: memref<16x104xf32, #tpu.memory_space<vmem>>, %arg6: memref<16x104xf32, #tpu.memory_space<vmem>>, %arg7: memref<64x12800xf32, #tpu.memory_space<vmem>>, %arg8: memref<12800x64xf32, #tpu.memory_space<vmem>>, %arg9: memref<36x96xf32, #tpu.memory_space<vmem>>, %arg10: memref<36x1xf32, #tpu.memory_space<vmem>>, %arg11: memref<1x1xf32, #tpu.memory_space<vmem>>, %arg12: memref<16x36xf32, #tpu.memory_space<vmem>>, %arg13: memref<16x1xf32, #tpu.memory_space<vmem>>, %arg14: memref<1x1xf32, #tpu.memory_space<vmem>>, %arg15: memref<1x16xf32, #tpu.memory_space<vmem>>, %arg16: memref<1x1xf32, #tpu.memory_space<vmem>>, %arg17: memref<1x64x64xf32, #tpu.memory_space<vmem>>) attributes {dimension_semantics = [#tpu.dimension_semantics<arbitrary>], iteration_bounds = array<i64: 64>, scalar_prefetch = 0 : i64, scratch_operands = 0 : i64, tpu.core_type = #tpu.core_type<tc>, window_params = [{transform_indices = @transform_0, window_bounds = array<i64: 1, 1, 12800>}, {transform_indices = @transform_1, window_bounds = array<i64: 1, 1, 12800>}, {transform_indices = @transform_2, window_bounds = array<i64: 1, 1, 64>}, {transform_indices = @transform_3, window_bounds = array<i64: 1, 1, 64>}, {pipeline_mode = #tpu.pipeline_mode<synchronous>, transform_indices = @transform_4, window_bounds = array<i64: 16, 104>}, {pipeline_mode = #tpu.pipeline_mode<synchronous>, transform_indices = @transform_5, window_bounds = array<i64: 16, 104>}, {pipeline_mode = #tpu.pipeline_mode<synchronous>, transform_indices = @transform_6, window_bounds = array<i64: 64, 12800>}, {pipeline_mode = #tpu.pipeline_mode<synchronous>, transform_indices = @transform_7, window_bounds = array<i64: 12800, 64>}, {pipeline_mode = #tpu.pipeline_mode<synchronous>, transform_indices = @transform_8, window_bounds = array<i64: 36, 96>}, {pipeline_mode = #tpu.pipeline_mode<synchronous>, transform_indices = @transform_9, window_bounds = array<i64: 36, 1>}, {pipeline_mode = #tpu.pipeline_mode<synchronous>, transform_indices = @transform_10, window_bounds = array<i64: 1, 1>}, {pipeline_mode = #tpu.pipeline_mode<synchronous>, transform_indices = @transform_11, window_bounds = array<i64: 16, 36>}, {pipeline_mode = #tpu.pipeline_mode<synchronous>, transform_indices = @transform_12, window_bounds = array<i64: 16, 1>}, {pipeline_mode = #tpu.pipeline_mode<synchronous>, transform_indices = @transform_13, window_bounds = array<i64: 1, 1>}, {pipeline_mode = #tpu.pipeline_mode<synchronous>, transform_indices = @transform_14, window_bounds = array<i64: 1, 16>}, {pipeline_mode = #tpu.pipeline_mode<synchronous>, transform_indices = @transform_15, window_bounds = array<i64: 1, 1>}, {transform_indices = @transform_16, window_bounds = array<i64: 1, 64, 64>}]} {
    %get3A = arith.constant 0 : index
    %get3A_0 = arith.constant 0 : index
    %get3A_1 = vector.load %arg5[%get3A, %get3A_0] : memref<16x104xf32, #tpu.memory_space<vmem>>, vector<16x104xf32>
    %get3A_2 = arith.constant 0 : index
    %get3A_3 = arith.constant 0 : index
    %get3A_4 = vector.load %arg6[%get3A_2, %get3A_3] : memref<16x104xf32, #tpu.memory_space<vmem>>, vector<16x104xf32>
    %iota3A = tpu.iota {dimensions = array<i32: 0>} : vector<104x12800xi32>
    %iota3A_5 = tpu.iota {dimensions = array<i32: 0>} : vector<104x64xi32>
    %get3A_6 = arith.constant 0 : index
    %get3A_7 = arith.constant 0 : index
    %get3A_8 = arith.constant 0 : index
    %get3A_9 = vector.load %arg1[%get3A_6, %get3A_7, %get3A_8] : memref<1x1x12800xi32, #tpu.memory_space<vmem>>, vector<1x1x12800xi32>
    %get3A_10 = vector.shape_cast %get3A_9 : vector<1x1x12800xi32> to vector<1x12800xi32>
    %get3A_11 = arith.constant 0 : index
    %get3A_12 = arith.constant 0 : index
    %get3A_13 = arith.constant 0 : index
    %get3A_14 = vector.load %arg2[%get3A_11, %get3A_12, %get3A_13] : memref<1x1x12800xi32, #tpu.memory_space<vmem>>, vector<1x1x12800xi32>
    %get3A_15 = vector.shape_cast %get3A_14 : vector<1x1x12800xi32> to vector<1x12800xi32>
    %and3A = arith.constant 255 : i32
    %and3A_16 = vector.broadcast %and3A : i32 to vector<1x12800xi32>
    %and3A_17 = arith.andi %get3A_10, %and3A_16 : vector<1x12800xi32>
    %eq3A = vector.broadcast %and3A_17 : vector<1x12800xi32> to vector<104x12800xi32>
    %eq3A_18 = arith.cmpi eq, %iota3A, %eq3A : vector<104x12800xi32>
    %convert_element_type3A = arith.extui %eq3A_18 : vector<104x12800xi1> to vector<104x12800xi32>
    %convert_element_type3A_19 = arith.sitofp %convert_element_type3A : vector<104x12800xi32> to vector<104x12800xf32>
    %dot_general3A = arith.constant dense<0.000000e+00> : vector<16x12800xf32>
    %dot_general3A_20 = tpu.matmul %get3A_1, %convert_element_type3A_19, %dot_general3A {dimension_numbers = #tpu.dot_dimension_numbers<[1], [0], [0], [1], [0, 0, 1, 1], [], []>, transpose_lhs_hint = false} : vector<16x104xf32>, vector<104x12800xf32>, vector<16x12800xf32> -> vector<16x12800xf32>
    %shift_right_arithmetic3A = arith.constant 8 : i32
    %shift_right_arithmetic3A_21 = vector.broadcast %shift_right_arithmetic3A : i32 to vector<1x12800xi32>
    %shift_right_arithmetic3A_22 = arith.shrsi %get3A_10, %shift_right_arithmetic3A_21 : vector<1x12800xi32>
    %and3A_23 = arith.constant 255 : i32
    %and3A_24 = vector.broadcast %and3A_23 : i32 to vector<1x12800xi32>
    %and3A_25 = arith.andi %shift_right_arithmetic3A_22, %and3A_24 : vector<1x12800xi32>
    %eq3A_26 = vector.broadcast %and3A_25 : vector<1x12800xi32> to vector<104x12800xi32>
    %eq3A_27 = arith.cmpi eq, %iota3A, %eq3A_26 : vector<104x12800xi32>
    %convert_element_type3A_28 = arith.extui %eq3A_27 : vector<104x12800xi1> to vector<104x12800xi32>
    %convert_element_type3A_29 = arith.sitofp %convert_element_type3A_28 : vector<104x12800xi32> to vector<104x12800xf32>
    %shift_right_arithmetic3A_30 = arith.constant 16 : i32
    %shift_right_arithmetic3A_31 = vector.broadcast %shift_right_arithmetic3A_30 : i32 to vector<1x12800xi32>
    %shift_right_arithmetic3A_32 = arith.shrsi %get3A_10, %shift_right_arithmetic3A_31 : vector<1x12800xi32>
    %and3A_33 = arith.constant 255 : i32
    %and3A_34 = vector.broadcast %and3A_33 : i32 to vector<1x12800xi32>
    %and3A_35 = arith.andi %shift_right_arithmetic3A_32, %and3A_34 : vector<1x12800xi32>
    %eq3A_36 = vector.broadcast %and3A_35 : vector<1x12800xi32> to vector<104x12800xi32>
    %eq3A_37 = arith.cmpi eq, %iota3A, %eq3A_36 : vector<104x12800xi32>
    %convert_element_type3A_38 = arith.extui %eq3A_37 : vector<104x12800xi1> to vector<104x12800xi32>
    %convert_element_type3A_39 = arith.sitofp %convert_element_type3A_38 : vector<104x12800xi32> to vector<104x12800xf32>
    %add3A = arith.addf %convert_element_type3A_29, %convert_element_type3A_39 : vector<104x12800xf32>
    %shift_right_arithmetic3A_40 = arith.constant 24 : i32
    %shift_right_arithmetic3A_41 = vector.broadcast %shift_right_arithmetic3A_40 : i32 to vector<1x12800xi32>
    %shift_right_arithmetic3A_42 = arith.shrsi %get3A_10, %shift_right_arithmetic3A_41 : vector<1x12800xi32>
    %eq3A_43 = vector.broadcast %shift_right_arithmetic3A_42 : vector<1x12800xi32> to vector<104x12800xi32>
    %eq3A_44 = arith.cmpi eq, %iota3A, %eq3A_43 : vector<104x12800xi32>
    %convert_element_type3A_45 = arith.extui %eq3A_44 : vector<104x12800xi1> to vector<104x12800xi32>
    %convert_element_type3A_46 = arith.sitofp %convert_element_type3A_45 : vector<104x12800xi32> to vector<104x12800xf32>
    %add3A_47 = arith.addf %add3A, %convert_element_type3A_46 : vector<104x12800xf32>
    %eq3A_48 = vector.broadcast %get3A_15 : vector<1x12800xi32> to vector<104x12800xi32>
    %eq3A_49 = arith.cmpi eq, %iota3A, %eq3A_48 : vector<104x12800xi32>
    %convert_element_type3A_50 = arith.extui %eq3A_49 : vector<104x12800xi1> to vector<104x12800xi32>
    %convert_element_type3A_51 = arith.sitofp %convert_element_type3A_50 : vector<104x12800xi32> to vector<104x12800xf32>
    %add3A_52 = arith.addf %add3A_47, %convert_element_type3A_51 : vector<104x12800xf32>
    %dot_general3A_53 = arith.constant dense<0.000000e+00> : vector<16x12800xf32>
    %dot_general3A_54 = tpu.matmul %get3A_4, %add3A_52, %dot_general3A_53 {dimension_numbers = #tpu.dot_dimension_numbers<[1], [0], [0], [1], [0, 0, 1, 1], [], []>, transpose_lhs_hint = false} : vector<16x104xf32>, vector<104x12800xf32>, vector<16x12800xf32> -> vector<16x12800xf32>
    %reduce_sum3A = arith.constant dense<0.000000e+00> : vector<12800xf32>
    %reduce_sum3A_55 = vector.multi_reduction <add>, %add3A_52, %reduce_sum3A [0] : vector<104x12800xf32> to vector<12800xf32>
    %broadcast_in_dim3A = vector.shape_cast %reduce_sum3A_55 : vector<12800xf32> to vector<1x12800xf32>
    %slice3A = vector.extract_strided_slice %add3A_52 {offsets = [0, 0], sizes = [1, 12800], strides = [1, 1]} : vector<104x12800xf32> to vector<1x12800xf32>
    %sub3A = arith.subf %broadcast_in_dim3A, %slice3A : vector<1x12800xf32>
    %add3A_56 = arith.constant 9.99999993E-9 : f32
    %add3A_57 = vector.broadcast %add3A_56 : f32 to vector<1x12800xf32>
    %add3A_58 = arith.addf %sub3A, %add3A_57 : vector<1x12800xf32>
    %div3A = vector.broadcast %add3A_58 : vector<1x12800xf32> to vector<16x12800xf32>
    %div3A_59 = arith.divf %dot_general3A_54, %div3A : vector<16x12800xf32>
    %concatenate3A = tpu.concatenate %dot_general3A_20, %div3A_59 in 0 : vector<16x12800xf32>, vector<16x12800xf32> -> vector<32x12800xf32>
    %get3A_60 = arith.constant 0 : index
    %get3A_61 = arith.constant 0 : index
    %get3A_62 = arith.constant 0 : index
    %get3A_63 = vector.load %arg3[%get3A_60, %get3A_61, %get3A_62] : memref<1x1x64xi32, #tpu.memory_space<vmem>>, vector<1x1x64xi32>
    %get3A_64 = vector.shape_cast %get3A_63 : vector<1x1x64xi32> to vector<1x64xi32>
    %get3A_65 = arith.constant 0 : index
    %get3A_66 = arith.constant 0 : index
    %get3A_67 = arith.constant 0 : index
    %get3A_68 = vector.load %arg4[%get3A_65, %get3A_66, %get3A_67] : memref<1x1x64xi32, #tpu.memory_space<vmem>>, vector<1x1x64xi32>
    %get3A_69 = vector.shape_cast %get3A_68 : vector<1x1x64xi32> to vector<1x64xi32>
    %and3A_70 = arith.constant 255 : i32
    %and3A_71 = vector.broadcast %and3A_70 : i32 to vector<1x64xi32>
    %and3A_72 = arith.andi %get3A_64, %and3A_71 : vector<1x64xi32>
    %eq3A_73 = vector.broadcast %and3A_72 : vector<1x64xi32> to vector<104x64xi32>
    %eq3A_74 = arith.cmpi eq, %iota3A_5, %eq3A_73 : vector<104x64xi32>
    %convert_element_type3A_75 = arith.extui %eq3A_74 : vector<104x64xi1> to vector<104x64xi32>
    %convert_element_type3A_76 = arith.sitofp %convert_element_type3A_75 : vector<104x64xi32> to vector<104x64xf32>
    %dot_general3A_77 = arith.constant dense<0.000000e+00> : vector<16x64xf32>
    %dot_general3A_78 = tpu.matmul %get3A_1, %convert_element_type3A_76, %dot_general3A_77 {dimension_numbers = #tpu.dot_dimension_numbers<[1], [0], [0], [1], [0, 0, 1, 1], [], []>, transpose_lhs_hint = false} : vector<16x104xf32>, vector<104x64xf32>, vector<16x64xf32> -> vector<16x64xf32>
    %shift_right_arithmetic3A_79 = arith.constant 8 : i32
    %shift_right_arithmetic3A_80 = vector.broadcast %shift_right_arithmetic3A_79 : i32 to vector<1x64xi32>
    %shift_right_arithmetic3A_81 = arith.shrsi %get3A_64, %shift_right_arithmetic3A_80 : vector<1x64xi32>
    %and3A_82 = arith.constant 255 : i32
    %and3A_83 = vector.broadcast %and3A_82 : i32 to vector<1x64xi32>
    %and3A_84 = arith.andi %shift_right_arithmetic3A_81, %and3A_83 : vector<1x64xi32>
    %eq3A_85 = vector.broadcast %and3A_84 : vector<1x64xi32> to vector<104x64xi32>
    %eq3A_86 = arith.cmpi eq, %iota3A_5, %eq3A_85 : vector<104x64xi32>
    %convert_element_type3A_87 = arith.extui %eq3A_86 : vector<104x64xi1> to vector<104x64xi32>
    %convert_element_type3A_88 = arith.sitofp %convert_element_type3A_87 : vector<104x64xi32> to vector<104x64xf32>
    %shift_right_arithmetic3A_89 = arith.constant 16 : i32
    %shift_right_arithmetic3A_90 = vector.broadcast %shift_right_arithmetic3A_89 : i32 to vector<1x64xi32>
    %shift_right_arithmetic3A_91 = arith.shrsi %get3A_64, %shift_right_arithmetic3A_90 : vector<1x64xi32>
    %and3A_92 = arith.constant 255 : i32
    %and3A_93 = vector.broadcast %and3A_92 : i32 to vector<1x64xi32>
    %and3A_94 = arith.andi %shift_right_arithmetic3A_91, %and3A_93 : vector<1x64xi32>
    %eq3A_95 = vector.broadcast %and3A_94 : vector<1x64xi32> to vector<104x64xi32>
    %eq3A_96 = arith.cmpi eq, %iota3A_5, %eq3A_95 : vector<104x64xi32>
    %convert_element_type3A_97 = arith.extui %eq3A_96 : vector<104x64xi1> to vector<104x64xi32>
    %convert_element_type3A_98 = arith.sitofp %convert_element_type3A_97 : vector<104x64xi32> to vector<104x64xf32>
    %add3A_99 = arith.addf %convert_element_type3A_88, %convert_element_type3A_98 : vector<104x64xf32>
    %shift_right_arithmetic3A_100 = arith.constant 24 : i32
    %shift_right_arithmetic3A_101 = vector.broadcast %shift_right_arithmetic3A_100 : i32 to vector<1x64xi32>
    %shift_right_arithmetic3A_102 = arith.shrsi %get3A_64, %shift_right_arithmetic3A_101 : vector<1x64xi32>
    %eq3A_103 = vector.broadcast %shift_right_arithmetic3A_102 : vector<1x64xi32> to vector<104x64xi32>
    %eq3A_104 = arith.cmpi eq, %iota3A_5, %eq3A_103 : vector<104x64xi32>
    %convert_element_type3A_105 = arith.extui %eq3A_104 : vector<104x64xi1> to vector<104x64xi32>
    %convert_element_type3A_106 = arith.sitofp %convert_element_type3A_105 : vector<104x64xi32> to vector<104x64xf32>
    %add3A_107 = arith.addf %add3A_99, %convert_element_type3A_106 : vector<104x64xf32>
    %eq3A_108 = vector.broadcast %get3A_69 : vector<1x64xi32> to vector<104x64xi32>
    %eq3A_109 = arith.cmpi eq, %iota3A_5, %eq3A_108 : vector<104x64xi32>
    %convert_element_type3A_110 = arith.extui %eq3A_109 : vector<104x64xi1> to vector<104x64xi32>
    %convert_element_type3A_111 = arith.sitofp %convert_element_type3A_110 : vector<104x64xi32> to vector<104x64xf32>
    %add3A_112 = arith.addf %add3A_107, %convert_element_type3A_111 : vector<104x64xf32>
    %dot_general3A_113 = arith.constant dense<0.000000e+00> : vector<16x64xf32>
    %dot_general3A_114 = tpu.matmul %get3A_4, %add3A_112, %dot_general3A_113 {dimension_numbers = #tpu.dot_dimension_numbers<[1], [0], [0], [1], [0, 0, 1, 1], [], []>, transpose_lhs_hint = false} : vector<16x104xf32>, vector<104x64xf32>, vector<16x64xf32> -> vector<16x64xf32>
    %reduce_sum3A_115 = arith.constant dense<0.000000e+00> : vector<64xf32>
    %reduce_sum3A_116 = vector.multi_reduction <add>, %add3A_112, %reduce_sum3A_115 [0] : vector<104x64xf32> to vector<64xf32>
    %broadcast_in_dim3A_117 = vector.shape_cast %reduce_sum3A_116 : vector<64xf32> to vector<1x64xf32>
    %slice3A_118 = vector.extract_strided_slice %add3A_112 {offsets = [0, 0], sizes = [1, 64], strides = [1, 1]} : vector<104x64xf32> to vector<1x64xf32>
    %sub3A_119 = arith.subf %broadcast_in_dim3A_117, %slice3A_118 : vector<1x64xf32>
    %add3A_120 = arith.constant 9.99999993E-9 : f32
    %add3A_121 = vector.broadcast %add3A_120 : f32 to vector<1x64xf32>
    %add3A_122 = arith.addf %sub3A_119, %add3A_121 : vector<1x64xf32>
    %div3A_123 = vector.broadcast %add3A_122 : vector<1x64xf32> to vector<16x64xf32>
    %div3A_124 = arith.divf %dot_general3A_114, %div3A_123 : vector<16x64xf32>
    %concatenate3A_125 = tpu.concatenate %dot_general3A_78, %div3A_124 in 0 : vector<16x64xf32>, vector<16x64xf32> -> vector<32x64xf32>
    %get3A_126 = arith.constant 0 : index
    %get3A_127 = arith.constant 0 : index
    %get3A_128 = vector.load %arg7[%get3A_126, %get3A_127] : memref<64x12800xf32, #tpu.memory_space<vmem>>, vector<64x12800xf32>
    %get3A_129 = arith.constant 0 : index
    %get3A_130 = arith.constant 0 : index
    %get3A_131 = vector.load %arg8[%get3A_129, %get3A_130] : memref<12800x64xf32, #tpu.memory_space<vmem>>, vector<12800x64xf32>
    %dot_general3A_132 = arith.constant dense<0.000000e+00> : vector<32x12800xf32>
    %dot_general3A_133 = tpu.matmul %concatenate3A_125, %get3A_128, %dot_general3A_132 {dimension_numbers = #tpu.dot_dimension_numbers<[1], [0], [0], [1], [0, 0, 1, 1], [], []>, transpose_lhs_hint = false} : vector<32x64xf32>, vector<64x12800xf32>, vector<32x12800xf32> -> vector<32x12800xf32>
    %mul3A = arith.mulf %concatenate3A, %dot_general3A_133 : vector<32x12800xf32>
    %concatenate3A_134 = tpu.concatenate %concatenate3A, %dot_general3A_133, %mul3A in 0 : vector<32x12800xf32>, vector<32x12800xf32>, vector<32x12800xf32> -> vector<96x12800xf32>
    %get3A_135 = arith.constant 0 : index
    %get3A_136 = arith.constant 0 : index
    %get3A_137 = vector.load %arg9[%get3A_135, %get3A_136] : memref<36x96xf32, #tpu.memory_space<vmem>>, vector<36x96xf32>
    %dot_general3A_138 = arith.constant dense<0.000000e+00> : vector<36x12800xf32>
    %dot_general3A_139 = tpu.matmul %get3A_137, %concatenate3A_134, %dot_general3A_138 {dimension_numbers = #tpu.dot_dimension_numbers<[1], [0], [0], [1], [0, 0, 1, 1], [], []>, transpose_lhs_hint = false} : vector<36x96xf32>, vector<96x12800xf32>, vector<36x12800xf32> -> vector<36x12800xf32>
    %get3A_140 = arith.constant 0 : index
    %get3A_141 = arith.constant 0 : index
    %get3A_142 = vector.load %arg10[%get3A_140, %get3A_141] : memref<36x1xf32, #tpu.memory_space<vmem>>, vector<36x1xf32>
    %add3A_143 = vector.broadcast %get3A_142 : vector<36x1xf32> to vector<36x12800xf32>
    %add3A_144 = arith.addf %dot_general3A_139, %add3A_143 : vector<36x12800xf32>
    %get3A_145 = arith.constant 0 : index
    %get3A_146 = arith.constant 0 : index
    %get3A_147 = vector.load %arg11[%get3A_145, %get3A_146] : memref<1x1xf32, #tpu.memory_space<vmem>>, vector<1x1xf32>
    %get3A_148 = vector.extract %get3A_147[0, 0] : f32 from vector<1x1xf32>
    %ge3A = arith.constant 0.000000e+00 : f32
    %ge3A_149 = vector.broadcast %ge3A : f32 to vector<36x12800xf32>
    %ge3A_150 = arith.cmpf oge, %add3A_144, %ge3A_149 : vector<36x12800xf32>
    %mul3A_151 = vector.broadcast %get3A_148 : f32 to vector<36x12800xf32>
    %mul3A_152 = arith.mulf %mul3A_151, %add3A_144 : vector<36x12800xf32>
    %select_n3A = arith.select %ge3A_150, %add3A_144, %mul3A_152 : vector<36x12800xi1>, vector<36x12800xf32>
    %get3A_153 = arith.constant 0 : index
    %get3A_154 = arith.constant 0 : index
    %get3A_155 = vector.load %arg12[%get3A_153, %get3A_154] : memref<16x36xf32, #tpu.memory_space<vmem>>, vector<16x36xf32>
    %dot_general3A_156 = arith.constant dense<0.000000e+00> : vector<16x12800xf32>
    %dot_general3A_157 = tpu.matmul %get3A_155, %select_n3A, %dot_general3A_156 {dimension_numbers = #tpu.dot_dimension_numbers<[1], [0], [0], [1], [0, 0, 1, 1], [], []>, transpose_lhs_hint = false} : vector<16x36xf32>, vector<36x12800xf32>, vector<16x12800xf32> -> vector<16x12800xf32>
    %get3A_158 = arith.constant 0 : index
    %get3A_159 = arith.constant 0 : index
    %get3A_160 = vector.load %arg13[%get3A_158, %get3A_159] : memref<16x1xf32, #tpu.memory_space<vmem>>, vector<16x1xf32>
    %add3A_161 = vector.broadcast %get3A_160 : vector<16x1xf32> to vector<16x12800xf32>
    %add3A_162 = arith.addf %dot_general3A_157, %add3A_161 : vector<16x12800xf32>
    %get3A_163 = arith.constant 0 : index
    %get3A_164 = arith.constant 0 : index
    %get3A_165 = vector.load %arg14[%get3A_163, %get3A_164] : memref<1x1xf32, #tpu.memory_space<vmem>>, vector<1x1xf32>
    %get3A_166 = vector.extract %get3A_165[0, 0] : f32 from vector<1x1xf32>
    %ge3A_167 = arith.constant 0.000000e+00 : f32
    %ge3A_168 = vector.broadcast %ge3A_167 : f32 to vector<16x12800xf32>
    %ge3A_169 = arith.cmpf oge, %add3A_162, %ge3A_168 : vector<16x12800xf32>
    %mul3A_170 = vector.broadcast %get3A_166 : f32 to vector<16x12800xf32>
    %mul3A_171 = arith.mulf %mul3A_170, %add3A_162 : vector<16x12800xf32>
    %select_n3A_172 = arith.select %ge3A_169, %add3A_162, %mul3A_171 : vector<16x12800xi1>, vector<16x12800xf32>
    %get3A_173 = arith.constant 0 : index
    %get3A_174 = arith.constant 0 : index
    %get3A_175 = vector.load %arg15[%get3A_173, %get3A_174] : memref<1x16xf32, #tpu.memory_space<vmem>>, vector<1x16xf32>
    %dot_general3A_176 = arith.constant dense<0.000000e+00> : vector<1x12800xf32>
    %dot_general3A_177 = tpu.matmul %get3A_175, %select_n3A_172, %dot_general3A_176 {dimension_numbers = #tpu.dot_dimension_numbers<[1], [0], [0], [1], [0, 0, 1, 1], [], []>, transpose_lhs_hint = false} : vector<1x16xf32>, vector<16x12800xf32>, vector<1x12800xf32> -> vector<1x12800xf32>
    %get3A_178 = arith.constant 0 : index
    %get3A_179 = arith.constant 0 : index
    %get3A_180 = vector.load %arg16[%get3A_178, %get3A_179] : memref<1x1xf32, #tpu.memory_space<vmem>>, vector<1x1xf32>
    %add3A_181 = vector.broadcast %get3A_180 : vector<1x1xf32> to vector<1x12800xf32>
    %add3A_182 = arith.addf %dot_general3A_177, %add3A_181 : vector<1x12800xf32>
    %mul3A_183 = vector.broadcast %add3A_182 : vector<1x12800xf32> to vector<32x12800xf32>
    %mul3A_184 = arith.mulf %concatenate3A, %mul3A_183 : vector<32x12800xf32>
    %dot_general3A_185 = arith.constant dense<0.000000e+00> : vector<32x64xf32>
    %dot_general3A_186 = tpu.matmul %mul3A_184, %get3A_131, %dot_general3A_185 {dimension_numbers = #tpu.dot_dimension_numbers<[1], [0], [0], [1], [0, 0, 1, 1], [], []>, transpose_lhs_hint = false} : vector<32x12800xf32>, vector<12800x64xf32>, vector<32x64xf32> -> vector<32x64xf32>
    %concatenate3A_187 = tpu.concatenate %dot_general3A_186, %concatenate3A_125 in 0 : vector<32x64xf32>, vector<32x64xf32> -> vector<64x64xf32>
    %swap3A = arith.constant 0 : index
    %swap3A_188 = arith.constant 0 : index
    %swap3A_189 = arith.constant 0 : index
    %swap3A_190 = vector.load %arg17[%swap3A, %swap3A_188, %swap3A_189] : memref<1x64x64xf32, #tpu.memory_space<vmem>>, vector<1x64x64xf32>
    %swap3A_191 = vector.shape_cast %swap3A_190 : vector<1x64x64xf32> to vector<64x64xf32>
    %swap3A_192 = vector.shape_cast %concatenate3A_187 : vector<64x64xf32> to vector<1x64x64xf32>
    tpu.vector_store %arg17[%swap3A, %swap3A_188, %swap3A_189], %swap3A_192 {strides = array<i32>} : memref<1x64x64xf32, #tpu.memory_space<vmem>>, vector<1x64x64xf32>,
    return
  }
  func.func @transform_0(%arg0: i32) -> (i32, i32, i32) {
    %c0_i32 = arith.constant 0 : i32
    %c0_i32_0 = arith.constant 0 : i32
    %c0_i32_1 = arith.constant 0 : i32
    return %arg0, %c0_i32, %c0_i32_0 : i32, i32, i32
  }
  func.func @transform_1(%arg0: i32) -> (i32, i32, i32) {
    %c0_i32 = arith.constant 0 : i32
    %c0_i32_0 = arith.constant 0 : i32
    %c0_i32_1 = arith.constant 0 : i32
    return %arg0, %c0_i32, %c0_i32_0 : i32, i32, i32
  }
  func.func @transform_2(%arg0: i32) -> (i32, i32, i32) {
    %c0_i32 = arith.constant 0 : i32
    %c0_i32_0 = arith.constant 0 : i32
    %c0_i32_1 = arith.constant 0 : i32
    return %arg0, %c0_i32, %c0_i32_0 : i32, i32, i32
  }
  func.func @transform_3(%arg0: i32) -> (i32, i32, i32) {
    %c0_i32 = arith.constant 0 : i32
    %c0_i32_0 = arith.constant 0 : i32
    %c0_i32_1 = arith.constant 0 : i32
    return %arg0, %c0_i32, %c0_i32_0 : i32, i32, i32
  }
  func.func @transform_4(%arg0: i32) -> (i32, i32) {
    %c0_i32 = arith.constant 0 : i32
    %c0_i32_0 = arith.constant 0 : i32
    %c0_i32_1 = arith.constant 0 : i32
    return %c0_i32, %c0_i32_0 : i32, i32
  }
  func.func @transform_5(%arg0: i32) -> (i32, i32) {
    %c0_i32 = arith.constant 0 : i32
    %c0_i32_0 = arith.constant 0 : i32
    %c0_i32_1 = arith.constant 0 : i32
    return %c0_i32, %c0_i32_0 : i32, i32
  }
  func.func @transform_6(%arg0: i32) -> (i32, i32) {
    %c0_i32 = arith.constant 0 : i32
    %c0_i32_0 = arith.constant 0 : i32
    %c0_i32_1 = arith.constant 0 : i32
    return %c0_i32, %c0_i32_0 : i32, i32
  }
  func.func @transform_7(%arg0: i32) -> (i32, i32) {
    %c0_i32 = arith.constant 0 : i32
    %c0_i32_0 = arith.constant 0 : i32
    %c0_i32_1 = arith.constant 0 : i32
    return %c0_i32, %c0_i32_0 : i32, i32
  }
  func.func @transform_8(%arg0: i32) -> (i32, i32) {
    %c0_i32 = arith.constant 0 : i32
    %c0_i32_0 = arith.constant 0 : i32
    %c0_i32_1 = arith.constant 0 : i32
    return %c0_i32, %c0_i32_0 : i32, i32
  }
  func.func @transform_9(%arg0: i32) -> (i32, i32) {
    %c0_i32 = arith.constant 0 : i32
    %c0_i32_0 = arith.constant 0 : i32
    %c0_i32_1 = arith.constant 0 : i32
    return %c0_i32, %c0_i32_0 : i32, i32
  }
  func.func @transform_10(%arg0: i32) -> (i32, i32) {
    %c0_i32 = arith.constant 0 : i32
    %c0_i32_0 = arith.constant 0 : i32
    %c0_i32_1 = arith.constant 0 : i32
    return %c0_i32, %c0_i32_0 : i32, i32
  }
  func.func @transform_11(%arg0: i32) -> (i32, i32) {
    %c0_i32 = arith.constant 0 : i32
    %c0_i32_0 = arith.constant 0 : i32
    %c0_i32_1 = arith.constant 0 : i32
    return %c0_i32, %c0_i32_0 : i32, i32
  }
  func.func @transform_12(%arg0: i32) -> (i32, i32) {
    %c0_i32 = arith.constant 0 : i32
    %c0_i32_0 = arith.constant 0 : i32
    %c0_i32_1 = arith.constant 0 : i32
    return %c0_i32, %c0_i32_0 : i32, i32
  }
  func.func @transform_13(%arg0: i32) -> (i32, i32) {
    %c0_i32 = arith.constant 0 : i32
    %c0_i32_0 = arith.constant 0 : i32
    %c0_i32_1 = arith.constant 0 : i32
    return %c0_i32, %c0_i32_0 : i32, i32
  }
  func.func @transform_14(%arg0: i32) -> (i32, i32) {
    %c0_i32 = arith.constant 0 : i32
    %c0_i32_0 = arith.constant 0 : i32
    %c0_i32_1 = arith.constant 0 : i32
    return %c0_i32, %c0_i32_0 : i32, i32
  }
  func.func @transform_15(%arg0: i32) -> (i32, i32) {
    %c0_i32 = arith.constant 0 : i32
    %c0_i32_0 = arith.constant 0 : i32
    %c0_i32_1 = arith.constant 0 : i32
    return %c0_i32, %c0_i32_0 : i32, i32
  }
  func.func @transform_16(%arg0: i32) -> (i32, i32, i32) {
    %c0_i32 = arith.constant 0 : i32
    %c0_i32_0 = arith.constant 0 : i32
    %c0_i32_1 = arith.constant 0 : i32
    return %arg0, %c0_i32, %c0_i32_0 : i32, i32, i32
  }
}

module attributes {stable_mosaic.version = 14 : i64} {
  func.func @_mlp_body(%arg0: memref<64x4096xf32, #tpu.memory_space<vmem>>, %arg1: memref<200x64xf32, #tpu.memory_space<vmem>>, %arg2: memref<200x1xf32, #tpu.memory_space<vmem>>, %arg3: memref<200x1xf32, #tpu.memory_space<vmem>>, %arg4: memref<200x1xf32, #tpu.memory_space<vmem>>, %arg5: memref<1x1xf32, #tpu.memory_space<vmem>>, %arg6: memref<80x200xf32, #tpu.memory_space<vmem>>, %arg7: memref<80x1xf32, #tpu.memory_space<vmem>>, %arg8: memref<80x1xf32, #tpu.memory_space<vmem>>, %arg9: memref<80x1xf32, #tpu.memory_space<vmem>>, %arg10: memref<1x1xf32, #tpu.memory_space<vmem>>, %arg11: memref<2x80xf32, #tpu.memory_space<vmem>>, %arg12: memref<2x1xf32, #tpu.memory_space<vmem>>, %arg13: memref<2x4096xf32, #tpu.memory_space<vmem>>) attributes {dimension_semantics = [], scalar_prefetch = 0 : i64, scratch_operands = 0 : i64, tpu.core_type = #tpu.core_type<tc>} {
    %get3A = arith.constant 0 : index
    %get3A_0 = arith.constant 0 : index
    %get3A_1 = vector.load %arg0[%get3A, %get3A_0] : memref<64x4096xf32, #tpu.memory_space<vmem>>, vector<64x4096xf32>
    %get3A_2 = arith.constant 0 : index
    %get3A_3 = arith.constant 0 : index
    %get3A_4 = vector.load %arg1[%get3A_2, %get3A_3] : memref<200x64xf32, #tpu.memory_space<vmem>>, vector<200x64xf32>
    %dot_general3A = arith.constant dense<0.000000e+00> : vector<200x4096xf32>
    %dot_general3A_5 = tpu.matmul %get3A_4, %get3A_1, %dot_general3A {dimension_numbers = #tpu.dot_dimension_numbers<[1], [0], [0], [1], [0, 0, 1, 1], [], []>, transpose_lhs_hint = false} : vector<200x64xf32>, vector<64x4096xf32>, vector<200x4096xf32> -> vector<200x4096xf32>
    %get3A_6 = arith.constant 0 : index
    %get3A_7 = arith.constant 0 : index
    %get3A_8 = vector.load %arg2[%get3A_6, %get3A_7] : memref<200x1xf32, #tpu.memory_space<vmem>>, vector<200x1xf32>
    %add3A = vector.broadcast %get3A_8 : vector<200x1xf32> to vector<200x4096xf32>
    %add3A_9 = arith.addf %dot_general3A_5, %add3A : vector<200x4096xf32>
    %get3A_10 = arith.constant 0 : index
    %get3A_11 = arith.constant 0 : index
    %get3A_12 = vector.load %arg3[%get3A_10, %get3A_11] : memref<200x1xf32, #tpu.memory_space<vmem>>, vector<200x1xf32>
    %get3A_13 = arith.constant 0 : index
    %get3A_14 = arith.constant 0 : index
    %get3A_15 = vector.load %arg4[%get3A_13, %get3A_14] : memref<200x1xf32, #tpu.memory_space<vmem>>, vector<200x1xf32>
    %get3A_16 = arith.constant 0 : index
    %get3A_17 = arith.constant 0 : index
    %get3A_18 = vector.load %arg5[%get3A_16, %get3A_17] : memref<1x1xf32, #tpu.memory_space<vmem>>, vector<1x1xf32>
    %get3A_19 = vector.extract %get3A_18[0, 0] : f32 from vector<1x1xf32>
    %reduce_sum3A = arith.constant dense<0.000000e+00> : vector<200xf32>
    %reduce_sum3A_20 = vector.multi_reduction <add>, %add3A_9, %reduce_sum3A [1] : vector<200x4096xf32> to vector<200xf32>
    %broadcast_in_dim3A = vector.shape_cast %reduce_sum3A_20 : vector<200xf32> to vector<200x1xf32>
    %div3A = arith.constant 4.096000e+03 : f32
    %div3A_21 = vector.broadcast %div3A : f32 to vector<200x1xf32>
    %div3A_22 = arith.divf %broadcast_in_dim3A, %div3A_21 : vector<200x1xf32>
    %sub3A = vector.broadcast %div3A_22 : vector<200x1xf32> to vector<200x4096xf32>
    %sub3A_23 = arith.subf %add3A_9, %sub3A : vector<200x4096xf32>
    %integer_pow3A = arith.mulf %sub3A_23, %sub3A_23 : vector<200x4096xf32>
    %reduce_sum3A_24 = arith.constant dense<0.000000e+00> : vector<200xf32>
    %reduce_sum3A_25 = vector.multi_reduction <add>, %integer_pow3A, %reduce_sum3A_24 [1] : vector<200x4096xf32> to vector<200xf32>
    %broadcast_in_dim3A_26 = vector.shape_cast %reduce_sum3A_25 : vector<200xf32> to vector<200x1xf32>
    %div3A_27 = arith.constant 4.096000e+03 : f32
    %div3A_28 = vector.broadcast %div3A_27 : f32 to vector<200x1xf32>
    %div3A_29 = arith.divf %broadcast_in_dim3A_26, %div3A_28 : vector<200x1xf32>
    %sub3A_30 = vector.broadcast %div3A_22 : vector<200x1xf32> to vector<200x4096xf32>
    %sub3A_31 = arith.subf %add3A_9, %sub3A_30 : vector<200x4096xf32>
    %add3A_32 = arith.constant 9.99999974E-6 : f32
    %add3A_33 = vector.broadcast %add3A_32 : f32 to vector<200x1xf32>
    %add3A_34 = arith.addf %div3A_29, %add3A_33 : vector<200x1xf32>
    %sqrt3A = math.sqrt %add3A_34 : vector<200x1xf32>
    %div3A_35 = vector.broadcast %sqrt3A : vector<200x1xf32> to vector<200x4096xf32>
    %div3A_36 = arith.divf %sub3A_31, %div3A_35 : vector<200x4096xf32>
    %mul3A = vector.broadcast %get3A_12 : vector<200x1xf32> to vector<200x4096xf32>
    %mul3A_37 = arith.mulf %div3A_36, %mul3A : vector<200x4096xf32>
    %add3A_38 = vector.broadcast %get3A_15 : vector<200x1xf32> to vector<200x4096xf32>
    %add3A_39 = arith.addf %mul3A_37, %add3A_38 : vector<200x4096xf32>
    %ge3A = arith.constant 0.000000e+00 : f32
    %ge3A_40 = vector.broadcast %ge3A : f32 to vector<200x4096xf32>
    %ge3A_41 = arith.cmpf oge, %add3A_39, %ge3A_40 : vector<200x4096xf32>
    %mul3A_42 = vector.broadcast %get3A_19 : f32 to vector<200x4096xf32>
    %mul3A_43 = arith.mulf %mul3A_42, %add3A_39 : vector<200x4096xf32>
    %select_n3A = arith.select %ge3A_41, %add3A_39, %mul3A_43 : vector<200x4096xi1>, vector<200x4096xf32>
    %get3A_44 = arith.constant 0 : index
    %get3A_45 = arith.constant 0 : index
    %get3A_46 = vector.load %arg6[%get3A_44, %get3A_45] : memref<80x200xf32, #tpu.memory_space<vmem>>, vector<80x200xf32>
    %dot_general3A_47 = arith.constant dense<0.000000e+00> : vector<80x4096xf32>
    %dot_general3A_48 = tpu.matmul %get3A_46, %select_n3A, %dot_general3A_47 {dimension_numbers = #tpu.dot_dimension_numbers<[1], [0], [0], [1], [0, 0, 1, 1], [], []>, transpose_lhs_hint = false} : vector<80x200xf32>, vector<200x4096xf32>, vector<80x4096xf32> -> vector<80x4096xf32>
    %get3A_49 = arith.constant 0 : index
    %get3A_50 = arith.constant 0 : index
    %get3A_51 = vector.load %arg7[%get3A_49, %get3A_50] : memref<80x1xf32, #tpu.memory_space<vmem>>, vector<80x1xf32>
    %add3A_52 = vector.broadcast %get3A_51 : vector<80x1xf32> to vector<80x4096xf32>
    %add3A_53 = arith.addf %dot_general3A_48, %add3A_52 : vector<80x4096xf32>
    %get3A_54 = arith.constant 0 : index
    %get3A_55 = arith.constant 0 : index
    %get3A_56 = vector.load %arg8[%get3A_54, %get3A_55] : memref<80x1xf32, #tpu.memory_space<vmem>>, vector<80x1xf32>
    %get3A_57 = arith.constant 0 : index
    %get3A_58 = arith.constant 0 : index
    %get3A_59 = vector.load %arg9[%get3A_57, %get3A_58] : memref<80x1xf32, #tpu.memory_space<vmem>>, vector<80x1xf32>
    %get3A_60 = arith.constant 0 : index
    %get3A_61 = arith.constant 0 : index
    %get3A_62 = vector.load %arg10[%get3A_60, %get3A_61] : memref<1x1xf32, #tpu.memory_space<vmem>>, vector<1x1xf32>
    %get3A_63 = vector.extract %get3A_62[0, 0] : f32 from vector<1x1xf32>
    %reduce_sum3A_64 = arith.constant dense<0.000000e+00> : vector<80xf32>
    %reduce_sum3A_65 = vector.multi_reduction <add>, %add3A_53, %reduce_sum3A_64 [1] : vector<80x4096xf32> to vector<80xf32>
    %broadcast_in_dim3A_66 = vector.shape_cast %reduce_sum3A_65 : vector<80xf32> to vector<80x1xf32>
    %div3A_67 = arith.constant 4.096000e+03 : f32
    %div3A_68 = vector.broadcast %div3A_67 : f32 to vector<80x1xf32>
    %div3A_69 = arith.divf %broadcast_in_dim3A_66, %div3A_68 : vector<80x1xf32>
    %sub3A_70 = vector.broadcast %div3A_69 : vector<80x1xf32> to vector<80x4096xf32>
    %sub3A_71 = arith.subf %add3A_53, %sub3A_70 : vector<80x4096xf32>
    %integer_pow3A_72 = arith.mulf %sub3A_71, %sub3A_71 : vector<80x4096xf32>
    %reduce_sum3A_73 = arith.constant dense<0.000000e+00> : vector<80xf32>
    %reduce_sum3A_74 = vector.multi_reduction <add>, %integer_pow3A_72, %reduce_sum3A_73 [1] : vector<80x4096xf32> to vector<80xf32>
    %broadcast_in_dim3A_75 = vector.shape_cast %reduce_sum3A_74 : vector<80xf32> to vector<80x1xf32>
    %div3A_76 = arith.constant 4.096000e+03 : f32
    %div3A_77 = vector.broadcast %div3A_76 : f32 to vector<80x1xf32>
    %div3A_78 = arith.divf %broadcast_in_dim3A_75, %div3A_77 : vector<80x1xf32>
    %sub3A_79 = vector.broadcast %div3A_69 : vector<80x1xf32> to vector<80x4096xf32>
    %sub3A_80 = arith.subf %add3A_53, %sub3A_79 : vector<80x4096xf32>
    %add3A_81 = arith.constant 9.99999974E-6 : f32
    %add3A_82 = vector.broadcast %add3A_81 : f32 to vector<80x1xf32>
    %add3A_83 = arith.addf %div3A_78, %add3A_82 : vector<80x1xf32>
    %sqrt3A_84 = math.sqrt %add3A_83 : vector<80x1xf32>
    %div3A_85 = vector.broadcast %sqrt3A_84 : vector<80x1xf32> to vector<80x4096xf32>
    %div3A_86 = arith.divf %sub3A_80, %div3A_85 : vector<80x4096xf32>
    %mul3A_87 = vector.broadcast %get3A_56 : vector<80x1xf32> to vector<80x4096xf32>
    %mul3A_88 = arith.mulf %div3A_86, %mul3A_87 : vector<80x4096xf32>
    %add3A_89 = vector.broadcast %get3A_59 : vector<80x1xf32> to vector<80x4096xf32>
    %add3A_90 = arith.addf %mul3A_88, %add3A_89 : vector<80x4096xf32>
    %ge3A_91 = arith.constant 0.000000e+00 : f32
    %ge3A_92 = vector.broadcast %ge3A_91 : f32 to vector<80x4096xf32>
    %ge3A_93 = arith.cmpf oge, %add3A_90, %ge3A_92 : vector<80x4096xf32>
    %mul3A_94 = vector.broadcast %get3A_63 : f32 to vector<80x4096xf32>
    %mul3A_95 = arith.mulf %mul3A_94, %add3A_90 : vector<80x4096xf32>
    %select_n3A_96 = arith.select %ge3A_93, %add3A_90, %mul3A_95 : vector<80x4096xi1>, vector<80x4096xf32>
    %get3A_97 = arith.constant 0 : index
    %get3A_98 = arith.constant 0 : index
    %get3A_99 = vector.load %arg11[%get3A_97, %get3A_98] : memref<2x80xf32, #tpu.memory_space<vmem>>, vector<2x80xf32>
    %dot_general3A_100 = arith.constant dense<0.000000e+00> : vector<2x4096xf32>
    %dot_general3A_101 = tpu.matmul %get3A_99, %select_n3A_96, %dot_general3A_100 {dimension_numbers = #tpu.dot_dimension_numbers<[1], [0], [0], [1], [0, 0, 1, 1], [], []>, transpose_lhs_hint = false} : vector<2x80xf32>, vector<80x4096xf32>, vector<2x4096xf32> -> vector<2x4096xf32>
    %get3A_102 = arith.constant 0 : index
    %get3A_103 = arith.constant 0 : index
    %get3A_104 = vector.load %arg12[%get3A_102, %get3A_103] : memref<2x1xf32, #tpu.memory_space<vmem>>, vector<2x1xf32>
    %add3A_105 = vector.broadcast %get3A_104 : vector<2x1xf32> to vector<2x4096xf32>
    %add3A_106 = arith.addf %dot_general3A_101, %add3A_105 : vector<2x4096xf32>
    %reduce_max3A = arith.constant dense<0xFF800000> : vector<4096xf32>
    %reduce_max3A_107 = vector.multi_reduction <maximumf>, %add3A_106, %reduce_max3A [0] : vector<2x4096xf32> to vector<4096xf32>
    %broadcast_in_dim3A_108 = vector.shape_cast %reduce_max3A_107 : vector<4096xf32> to vector<1x4096xf32>
    %sub3A_109 = vector.broadcast %broadcast_in_dim3A_108 : vector<1x4096xf32> to vector<2x4096xf32>
    %sub3A_110 = arith.subf %add3A_106, %sub3A_109 : vector<2x4096xf32>
    %exp3A = math.exp %sub3A_110 : vector<2x4096xf32>
    %reduce_sum3A_111 = arith.constant dense<0.000000e+00> : vector<4096xf32>
    %reduce_sum3A_112 = vector.multi_reduction <add>, %exp3A, %reduce_sum3A_111 [0] : vector<2x4096xf32> to vector<4096xf32>
    %broadcast_in_dim3A_113 = vector.shape_cast %reduce_sum3A_112 : vector<4096xf32> to vector<1x4096xf32>
    %div3A_114 = vector.broadcast %broadcast_in_dim3A_113 : vector<1x4096xf32> to vector<2x4096xf32>
    %div3A_115 = arith.divf %exp3A, %div3A_114 : vector<2x4096xf32>
    %swap3A = arith.constant 0 : index
    %swap3A_116 = arith.constant 0 : index
    %swap3A_117 = vector.load %arg13[%swap3A, %swap3A_116] : memref<2x4096xf32, #tpu.memory_space<vmem>>, vector<2x4096xf32>
    tpu.vector_store %arg13[%swap3A, %swap3A_116], %div3A_115 {strides = array<i32>} : memref<2x4096xf32, #tpu.memory_space<vmem>>, vector<2x4096xf32>,
    return
  }
}

</mosaic_0001>

<sc_bundles>
// kernel: kernel.5.cloned.1.call-start
scs
__scs_entry_jumppad:
0x0: {  	(pc) =	sbr.rel $0x88, $3  }
0x1: {  	(tag) =	ssettag $0x0;
	lr =	simm.s32 $0x1  }
0x2: {  	[smem:$0x3F89] =	sst lr;
	_ =	strace $0xD0000000  }
0x3: {  	_ = 	snop  }
0x4: {  	_ = 	snop  }
0x5: {  	_ = 	snop  }
0x6: {  	_ = 	snop  }
0x7: {  	_ = 	snop  }
__scs_overlays_trampoline_lowered:
0x8: {  	[smem:$0x3F98] =	sst s0  }
0x9: {  	[smem:$0x3F99] =	sst s1  }
0xa: {  	[smem:$0x3F9A] =	sst s2  }
0xb: {  	[smem:$0x3F9B] =	sst s3  }
0xc: {  	[smem:$0x3F9C] =	sst s4  }
0xd: {  	[smem:$0x3F9D] =	sst s5  }
0xe: {  	[smem:$0x3F9E] =	sst s6  }
0xf: {  	[smem:$0x3F9F] =	sst s7  }
0x10: {  	[smem:$0x3FA0] =	sst s8  }
0x11: {  	[smem:$0x3FA1] =	sst s9;
	s0 =	simm.s32 @!p0 $0x0  }
0x12: {  	s1 =	sld [smem:$0x3F87];
	s0 =	simm.s32 @p0 $0x1  }
0x13: {  	[smem:$0x3FA2] =	sst s0;
	s0 =	simm.s32 @!p1 $0x0  }
0x14: {  	s2 =	sld [smem:$0x3F86];
	s0 =	simm.s32 @p1 $0x1  }
0x15: {  	[smem:$0x3FA3] =	sst s0;
	s0 =	simm.s32 @!p2 $0x0  }
0x16: {  	s3 =	sld [smem:$0x3FDB];
	s0 =	simm.s32 @p2 $0x1  }
0x17: {  	s4 =	simm.s32 $0x1BF5;
	[smem:$0x3FA5] =	sst s0  }
0x18: {  	s0 =	sld [smem:$0x3F88];
	_ =	swait.ge [sflag:s4], $0x0  }
0x19: {  	s7 =	sld [smem:$0x3F89]  }
0x1a: {  	s8 =	sadd.s32 $0xFFFFE003, lr  }
0x1b: {  	s9 =	sadd.s32 $0xFFFFFEF7, lr;
	s5 =	simm.s32 $0xFFFFFFFF;
	p2 =	slt.u32 s8, $0xFFFFF086  }
0x1c: {  	p1 =	slt.u32 s9, $0xF7A;
	s5 =	simm.s32 @!p2 $0x0  }
0x1d: {  	s5 =	simm.s32 @p1 $0x1;
	p0 =	seq.s32 s7, s2  }
0x1e: {  	s7 =	smul.u32 @!p0 $0xF7A, s2;
	p2 =	seq.s32 @!p0 s5, $0x0  }
0x1f: {  	s9 =	smul.u32 $0xF7A, s1;
	s8 =	simm.s32 @!p0 $0x1BF5;
	p2 =	por !p2, p0  }
0x20: {  	[sflag:s8] =	ssyncset.s32 @!p0 $0xFFFFF086;
	s6 =	sadd.s32 @!p0 s3, s7;
	s7 =	simm.s32 @!p0 $0x108  }
0x21: {  	s3 =	sadd.s32 s3, s9;
	s6 =	sadd.s32 @!p0 $0x88, s6;
	s7 =	simm.s32 @p2 $0x1082  }
0x22: {  	[simem:s7], [sflag:s8] =	dma.local @!p0 [hbm:s6], $0xF7A  }
0x23: {  	s9 =	sor.u32 $0xD0000000, s2;
	s6 =	simm.s32 $0x108;
	_ =	swait.ge @!p0 [sflag:s8], $0x0  }
0x24: {  	s3 =	sadd.s32 $0x88, s3;
	s6 =	simm.s32 @!p1 $0x1082;
	[sflag:s4] =	ssyncset.s32 $0xFFFFF086  }
0x25: {  	[simem:s6], [sflag:s4] =	dma.local [hbm:s3], $0xF7A  }
0x26: {  	[smem:$0x3F89] =	sst s1;
	(tag) =	ssettag s2;
	_ =	strace s9  }
0x27: {  	s1 =	sld [smem:$0x3F99]  }
0x28: {  	s2 =	sld [smem:$0x3F9A]  }
0x29: {  	s4 =	sld [smem:$0x3F9C]  }
0x2a: {  	p0 =	seq.s32 s5, $0x0;
	s5 =	sld [smem:$0x3F9D]  }
0x2b: {  	s6 =	sld [smem:$0x3F9E]  }
0x2c: {  	s7 =	sld [smem:$0x3F9F]  }
0x2d: {  	s3 =	simm.s32 $0x108;
	s8 =	sld [smem:$0x3FA0]  }
0x2e: {  	s3 =	simm.s32 @!p0 $0x1082;
	s9 =	sld [smem:$0x3FA1]  }
0x2f: {  	lr =	sadd.s32 s0, s3;
	s0 =	sld [smem:$0x3F98]  }
0x30: {  	s3 =	sld [smem:$0x3F9B]  }
0x31: {  	[smem:$0x3FA4] =	sst s10  }
0x32: {  	s10 =	sld [smem:$0x3FA2];
	_ =	sdelay $0x3  }
0x33: {  	p0 =	seq.s32 s10, $0x1;
	s10 =	sld [smem:$0x3FA4];
	_ =	sdelay $0x3  }
0x34: {  	[smem:$0x3FA4] =	sst s10  }
0x35: {  	s10 =	sld [smem:$0x3FA3];
	_ =	sdelay $0x3  }
0x36: {  	p1 =	seq.s32 s10, $0x1;
	s10 =	sld [smem:$0x3FA4];
	_ =	sdelay $0x3  }
0x37: {  	[smem:$0x3FA4] =	sst s10  }
0x38: {  	s10 =	sld [smem:$0x3FA5]  }
0x39: {  	_ = 	snop;
	(pc) =	sbr.ind lr, $3  }
0x3a: {  	_ = 	snop  }
0x3b: {  	_ = 	snop  }
0x3c: {  	p2 =	seq.s32 s10, $0x1;
	s10 =	sld [smem:$0x3FA4]  }
0x3d: {  	_ =	shalt  }
0x3e: {  	_ =	shalt  }
0x3f: {  	_ =	shalt  }
0x40: {  	_ =	shalt  }
0x41: {  	_ =	shalt  }
0x42: {  	_ =	shalt  }
0x43: {  	_ =	shalt  }
0x44: {  	_ =	shalt  }
0x45: {  	_ =	shalt  }
0x46: {  	_ =	shalt  }
0x47: {  	_ =	shalt  }
0x48: {  	_ =	shalt  }
0x49: {  	_ =	shalt  }
0x4a: {  	_ =	shalt  }
0x4b: {  	_ =	shalt  }
0x4c: {  	_ =	shalt  }
0x4d: {  	_ =	shalt  }
0x4e: {  	_ =	shalt  }
0x4f: {  	_ =	shalt  }
0x50: {  	_ =	shalt  }
0x51: {  	_ =	shalt  }
0x52: {  	_ =	shalt  }
0x53: {  	_ =	shalt  }
0x54: {  	_ =	shalt  }
0x55: {  	_ =	shalt  }
0x56: {  	_ =	shalt  }
0x57: {  	_ =	shalt  }
0x58: {  	_ =	shalt  }
0x59: {  	_ =	shalt  }
0x5a: {  	_ =	shalt  }
0x5b: {  	_ =	shalt  }
0x5c: {  	_ =	shalt  }
0x5d: {  	_ =	shalt  }
0x5e: {  	_ =	shalt  }
0x5f: {  	_ =	shalt  }
0x60: {  	_ =	shalt  }
0x61: {  	_ =	shalt  }
0x62: {  	_ =	shalt  }
0x63: {  	_ =	shalt  }
0x64: {  	_ =	shalt  }
0x65: {  	_ =	shalt  }
0x66: {  	_ =	shalt  }
0x67: {  	_ =	shalt  }
0x68: {  	_ =	shalt  }
0x69: {  	_ =	shalt  }
0x6a: {  	_ =	shalt  }
0x6b: {  	_ =	shalt  }
0x6c: {  	_ =	shalt  }
0x6d: {  	_ =	shalt  }
0x6e: {  	_ =	shalt  }
0x6f: {  	_ =	shalt  }
0x70: {  	_ =	shalt  }
0x71: {  	_ =	shalt  }
0x72: {  	_ =	shalt  }
0x73: {  	_ =	shalt  }
0x74: {  	_ =	shalt  }
0x75: {  	_ =	shalt  }
0x76: {  	_ =	shalt  }
0x77: {  	_ =	shalt  }
0x78: {  	_ =	shalt  }
0x79: {  	_ =	shalt  }
0x7a: {  	_ =	shalt  }
0x7b: {  	_ =	shalt  }
0x7c: {  	_ =	shalt  }
0x7d: {  	_ =	shalt  }
0x7e: {  	_ =	shalt  }
0x7f: {  	_ =	shalt  }
0x80: {  	_ =	shalt  }
0x81: {  	_ =	shalt  }
0x82: {  	_ =	shalt  }
0x83: {  	_ =	shalt  }
0x84: {  	_ =	shalt  }
0x85: {  	_ =	shalt  }
0x86: {  	_ =	shalt  }
0x87: {  	_ =	shalt  }
.Lfunc_end0:
.L_simem_size_0:
called_computation_lowered:
.L_overlay_start_0:
0x88: {  	s2 =	sld [smem:$0x3FD9]  }
0x89: {  	s3 =	sld [smem:$0x3FFE];
	_ =	sdelay $0x1  }
0x8a: {  	s1 =	srdreg.scid  }
0x8b: {  	s0 =	sand.u32 $0x1, s1  }
0x8c: {  	s17 =	sshll.u32 s0, $0xA;
	s2 =	sadd.s32 s3, s2  }
0x8d: {  	s2 =	sadd.s32 s2, s17  }
0x8e: {  	[smem:$0x3FB0] =	sst s2  }
0x8f: {  	_ = 	snop  }
0x90: {  	s2 =	sld [smem:$0x3FD0];
	(tm) =	ssettm $0x1  }
0x91: {  	s18 =	sld [smem:$0x3FFB];
	_ =	sdelay $0x3  }
0x92: {  	_ =	strace s18  }
0x93: {  	s3 =	sld [smem:$0x3FFC];
	_ =	sdelay $0x3  }
0x94: {  	_ =	strace s3  }
0x95: {  	s3 =	sld [smem:$0x3FFD];
	_ =	sdelay $0x3  }
0x96: {  	_ =	strace s3  }
0x97: {  	_ =	strace $0x8FFFFFFF  }
0x98: {  	s19 =	sld [smem:$0x3FDB];
	_ =	sdelay $0x1  }
0x99: {  	s4 =	simm.s32 $_scs_section_size  }
0x9a: {  	s5 =	simm.s32 $_size__tile_overlayer_lowered;
	s6 =	simm.s32 $_tile_overlayer_lowered  }
0x9b: {  	s22 =	simm.s32 $0x1BFF;
	s21 =	sshll.u32 s6, $0x1;
	s3 =	sadd.s32 s4, s19  }
0x9c: {  	s7 =	simm.s32 $0x0;
	s20 =	sshll.u32 s5, $0x1;
	s5 =	sadd.s32 s21, s3  }
0x9d: {  	[timem:s7], [sflag:s22] =	dma.local [hbm:s5], s20  }
0x9e: {  	_ =	swait.ge [sflag:s22], s20  }
0x9f: {  	s4 =	ssub.s32 $0x0, s20;
	[sflag:s22] =	ssyncset.done $0x0  }
0xa0: {  	[sflag:s22] =	ssyncadd.s32 s4;
	_ =	sdelay $0x1  }
0xa1: {  	s23 =	simm.s32 $0x1B8B  }
0xa2: {  	_ =	swait.ge [sflag:s23], $0x1  }
0xa3: {  	[sflag:s23] =	ssyncset.done $0x0  }
0xa4: {  	s25 =	simm.s32 $0x1B8E;
	s24 =	sld [smem:$0x3FFE];
	[sflag:s23] =	ssyncadd.s32 $0xFFFFFFFF  }
0xa5: {  	s26 =	simm.s32 $execute0_lowered;
	[smem:$0x3FD2] =	sst s25  }
0xa6: {  	s5 =	sshll.u32 s26, $0x1;
	_ =	strace $0x80000046;
	[dreg:$0x1] =	wrdreg $0xFFFFFFFF  }
0xa7: {  	s28 =	simm.s32 $_size_execute0_lowered;
	s3 =	sadd.s32 s3, s5;
	[dreg:$0x0] =	wrdreg $0x0  }
0xa8: {  	s5 =	sshll.u32 s28, $0x1;
	[dreg:$0x2] =	wrdreg s3  }
0xa9: {  	[dreg:$0x3] =	wrdreg s5  }
0xaa: {  	[dreg:$0x4] =	wrdreg $0xC0  }
0xab: {  	_ =	task [dreg:s7], $0x5FFFF  }
0xac: {  	[dreg:$0x1] =	wrdreg $0xFFFFFFFF  }
0xad: {  	[dreg:$0x0] =	wrdreg $0x60  }
0xae: {  	[dreg:$0x2] =	wrdreg s24  }
0xaf: {  	[dreg:$0x3] =	wrdreg s2  }
0xb0: {  	[dreg:$0x4] =	wrdreg $0x9  }
0xb1: {  	_ =	task.clear_ibuf [dreg:s7], $0x5FFFF;
	_ =	strace $0x90000046  }
0xb2: {  	s29 =	simm.s32 $0x9;
	_ =	strace $0x80000048  }
0xb3: {  	_ =	swait.ge [sflag:s29], $0x1  }
0xb4: {  	[sflag:s29] =	ssyncadd.s32 $0xFFFFFFFF  }
0xb5: {  	_ =	strace $0x90000048  }
0xb6: {  	_ =	sfence  }
0xb7: {  	s30 =	sld [smem:$0x0];
	_ =	sdelay $0x2  }
0xb8: {  	s31 =	sshll.u32 s1, $0xD;
	s1 =	sshrl.u32 s1, $0x2  }
0xb9: {  	s3 =	sand.u32 $0x4000, s31;
	s1 =	sadd.s32 s1, s30  }
0xba: {  	s0 =	sor.u32 s3, s0;
	s1 =	sshll.u32 s1, $0x11  }
0xbb: {  	s0 =	sor.u32 s1, s0  }
0xbc: {  	s0 =	sadd.s32 $0x8F2B, s0  }
0xbd: {  	[sflag:s0] =	ssyncadd.remote.s32 $0x1  }
0xbe: {  	_ =	sfence.sel $0xFFFF  }
0xbf: {  	[dreg:$0x0] =	wrdreg $0xFFFFFFFF;
	(pc) =	sbr.abs _section_cstart, $3  }
0xc0: {  	[dreg:$0x1] =	wrdreg $0xFFFFFFFF  }
0xc1: {  	_ =	task.clear_ibuf [dreg:s7], $0x2FFFF;
	_ =	strace $0x9FFFFFFF  }
0xc2: {  	(tm) =	ssettm $0x7FFFFFFF  }
0xc3: {  	_ =	shalt  }
tec
execute0_lowered:
.L_overlay_start_1:
0x0: {  	(tag) =	ssettag $0x1  }
0x1: {  	s0 =	rddreg [dreg:$0x0]  }
0x2: {  	s1 =	rddreg [dreg:$0x1];
	s3 =	srdreg.scid  }
0x3: {  	s4 =	stileid.u32;
	s2 =	simm.s32 $0x0;
	s30 =	simm.s32 $0x4B00  }
0x4: {  	s31 =	simm.s32 $0x80;
	s29 =	simm.s32 $0x4B80;
	s28 =	simm.s32 $0x4C00  }
0x5: {  	p0 =	por $0x0, $0x0;
	s5 =	sand.u32 $0x1, s3;
	s12 =	sshll.u32 s4, $0x1  }
0x6: {  	[smem:$0x7FF] =	sst s2;
	s7 =	sadd.s32 $0x3FA00, s0;
	s10 =	sadd.s32 $0x58E00, s0  }
0x7: {  	s11 =	sadd.s32 $0x71E00, s0;
	s4 =	sadd.s32 $0x2600, s0;
	s3 =	sor.u32 s5, s12  }
0x8: {  	_ =	strace $0x80000047;
	s5 =	ssub.s32 $0x2, s5;
	s13 =	sshll.u32 s3, $0x4  }
0x9: {  	s3 =	smul.u32 $0x6400, s3;
	s6 =	sadd.s32 s13, s0;
	s1 =	sadd.s32 s1, s13  }
0xa: {  	s25 =	sshrl.u32 s5, $0x1;
	[dreg:$0x3] =	wrdreg s1;
	s14 =	sadd.s32 $0x58A00, s6  }
0xb: {  	s12 =	ssub.s32 s5, s25;
	s15 =	sadd.s32 $0x58C00, s6;
	[dreg:$0x4] =	wrdreg s14  }
0xc: {  	s6 =	sshrl.u32 s3, $0x3;
	s3 =	sadd.s32 $0x21000, s0;
	[dreg:$0x5] =	wrdreg s15  }
0xd: {  	s16 =	sadd.s32 s7, s6;
	s8 =	sadd.s32 $0x190, s6;
	s1 =	rddreg [dreg:$0x3]  }
0xe: {  	s18 =	sadd.s32 s10, s6;
	s19 =	sadd.s32 s11, s6;
	[dreg:$0x6] =	wrdreg s16  }
0xf: {  	s9 =	sadd.s32 $0x320, s6;
	s23 =	sadd.s32 $0x4B0, s6;
	[dreg:$0x8] =	wrdreg s18  }
0x10: {  	s13 =	sadd.s32 $0x640, s6;
	s17 =	sadd.s32 s7, s8;
	[dreg:$0x9] =	wrdreg s19  }
0x11: {  	s14 =	sadd.s32 $0x7D0, s6;
	s20 =	sadd.s32 s7, s9;
	[dreg:$0x7] =	wrdreg s17  }
0x12: {  	s15 =	sadd.s32 $0x960, s6;
	s21 =	sadd.s32 s10, s8;
	[dreg:$0xa] =	wrdreg s20  }
0x13: {  	s22 =	sadd.s32 s11, s8;
	s24 =	sadd.s32 s7, s23;
	[dreg:$0xb] =	wrdreg s21  }
0x14: {  	s26 =	sadd.s32 s10, s9;
	s9 =	sadd.s32 s11, s9;
	[dreg:$0xc] =	wrdreg s22  }
0x15: {  	s25 =	sadd.s32 s10, s23;
	s18 =	sadd.s32 s10, s14;
	[dreg:$0xd] =	wrdreg s24  }
0x16: {  	s16 =	sadd.s32 s11, s14;
	s8 =	sadd.s32 s11, s15;
	[dreg:$0xe] =	wrdreg s26  }
0x17: {  	s19 =	smax.u32 s12, $0x1;
	s12 =	simm.s32 $0x3E80;
	[dreg:$0xf] =	wrdreg s9  }
0x18: {  	s26 =	sadd.s32 s7, s13;
	s24 =	sadd.s32 s11, s23;
	s23 =	sadd.s32 s7, s14  }
0x19: {  	s22 =	sadd.s32 s10, s13;
	s21 =	sadd.s32 s11, s13;
	p1 =	sne.s32 s19, $0x1  }
.Ltmp0:
0x1a: {  	s20 =	sadd.s32 s7, s15;
	s17 =	sadd.s32 $0xAF0, s6;
	(pc) =	sbr.rel @!p1 .LBB2_3-.Ltmp0, $4  }
0x1b: {  	s9 =	sadd.s32 s10, s15;
	s6 =	simm.s32 $0x3;
	s0 =	sadd.s32 $0xFFFFFFFF, s19  }
0x1c: {  	s15 =	simm.s32 $0x1900;
	s19 =	simm.s32 $0x2580;
	s13 =	simm.s32 $0x3200  }
0x1d: {  	s14 =	sadd.s32 s7, s17;
	s7 =	sadd.s32 s10, s17;
	s5 =	sadd.s32 s11, s17  }
0x1e: {  	s10 =	simm.s32 $0x1;
	s11 =	simm.s32 $0x2;
	s17 =	simm.s32 $0xC80  }
0x1f: {  	[tilespmem:s30], [sflag:$0x3] =	stream.linear.gather [hbm4b:s1+s2], $0x80, $0x38;
	[tilespmem:$0x4C80] =	vst v63  }
0x20: {  	_ =	swait.ge [sflag:s6], $0x80  }
0x21: {  	[sflag:s6] =	ssyncset.done $0x0  }
0x22: {  	[sflag:s6] =	ssyncadd.s32 $0xFFFFFF80  }
0x23: {  	[tilespmem:s29], [sflag:$0x1] =	stream.indirect.gather [hbm4b:s3+s31], $0x1, s30, s31, $0xb8;
	[tilespmem:$0x4C80] =	vst v63  }
0x24: {  	_ = 	snop  }
0x25: {  	[tilespmem:s28], [sflag:$0x2] =	stream.indirect.gather [hbm4b:s4+s31], $0x1, s30, s31, $0xb8;
	[tilespmem:$0x4C80] =	vst v63  }
0x26: {  	_ =	swait.ge [sflag:s10], $0x80  }
0x27: {  	[sflag:s10] =	ssyncset.done $0x0  }
0x28: {  	[sflag:s10] =	ssyncadd.s32 $0xFFFFFF80  }
0x29: {  	_ =	swait.ge [sflag:s11], $0x80  }
0x2a: {  	[sflag:s11] =	ssyncset.done $0x0  }
0x2b: {  	s1 =	rddreg [dreg:$0x4];
	[sflag:s11] =	ssyncadd.s32 $0xFFFFFF80  }
0x2c: {  	[hbm4b:s1+s2] =	stream.linear.scatter [tilespmem:s29], [sflag:$0x3], $0x80, $0x38;
	[tilespmem:$0x4C80] =	vst v63  }
0x2d: {  	_ =	swait.ge [sflag:s6], $0x80  }
0x2e: {  	[sflag:s6] =	ssyncset.done $0x0  }
0x2f: {  	s1 =	rddreg [dreg:$0x5];
	[sflag:s6] =	ssyncadd.s32 $0xFFFFFF80  }
0x30: {  	[hbm4b:s1+s2] =	stream.linear.scatter [tilespmem:s28], [sflag:$0x3], $0x80, $0x38;
	[tilespmem:$0x4C80] =	vst v63  }
0x31: {  	_ =	swait.ge [sflag:s6], $0x80  }
0x32: {  	[sflag:s6] =	ssyncset.done $0x0  }
0x33: {  	s1 =	rddreg [dreg:$0x6];
	[sflag:s6] =	ssyncadd.s32 $0xFFFFFF80  }
0x34: {  	[tilespmem:s2], [sflag:$0x3] =	stream.linear.gather [hbm4b:s1+s2], $0xC80, $0x38;
	[tilespmem:$0x4C80] =	vst v63  }
0x35: {  	_ =	swait.ge [sflag:s6], $0xC80  }
0x36: {  	[sflag:s6] =	ssyncset.done $0x0  }
0x37: {  	[sflag:s6] =	ssyncadd.s32 $0xFFFFF380  }
0x38: {  	[tilespmem:s17], [sflag:$0x1] =	stream.indirect.gather [hbm4b:s3+s17], $0x1, s2, s17, $0xb8;
	[tilespmem:$0x4C80] =	vst v63  }
0x39: {  	_ = 	snop  }
0x3a: {  	[tilespmem:s15], [sflag:$0x2] =	stream.indirect.gather [hbm4b:s4+s17], $0x1, s2, s17, $0xb8;
	[tilespmem:$0x4C80] =	vst v63  }
0x3b: {  	s1 =	rddreg [dreg:$0x7]  }
0x3c: {  	[tilespmem:s19], [sflag:$0x3] =	stream.linear.gather [hbm4b:s1+s2], $0xC80, $0x38;
	[tilespmem:$0x4C80] =	vst v63  }
0x3d: {  	_ =	swait.ge [sflag:s6], $0xC80  }
0x3e: {  	[sflag:s6] =	ssyncset.done $0x0  }
0x3f: {  	[sflag:s6] =	ssyncadd.s32 $0xFFFFF380  }
0x40: {  	[tilespmem:s13], [sflag:$0x1] =	stream.indirect.gather [hbm4b:s3+s17], $0x1, s19, s17, $0xb8;
	[tilespmem:$0x4C80] =	vst v63  }
0x41: {  	_ = 	snop  }
0x42: {  	[tilespmem:s12], [sflag:$0x2] =	stream.indirect.gather [hbm4b:s4+s17], $0x1, s19, s17, $0xb8;
	[tilespmem:$0x4C80] =	vst v63  }
0x43: {  	_ =	swait.ge [sflag:s10], $0xC80  }
0x44: {  	[sflag:s10] =	ssyncset.done $0x0  }
0x45: {  	[sflag:s10] =	ssyncadd.s32 $0xFFFFF380  }
0x46: {  	_ =	swait.ge [sflag:s11], $0xC80  }
0x47: {  	[sflag:s11] =	ssyncset.done $0x0  }
0x48: {  	s1 =	rddreg [dreg:$0x8];
	[sflag:s11] =	ssyncadd.s32 $0xFFFFF380  }
0x49: {  	[hbm4b:s1+s2] =	stream.linear.scatter [tilespmem:s17], [sflag:$0x3], $0xC80, $0x38;
	[tilespmem:$0x4C80] =	vst v63  }
0x4a: {  	_ =	swait.ge [sflag:s6], $0xC80  }
0x4b: {  	[sflag:s6] =	ssyncset.done $0x0  }
0x4c: {  	s1 =	rddreg [dreg:$0x9];
	[sflag:s6] =	ssyncadd.s32 $0xFFFFF380  }
0x4d: {  	[hbm4b:s1+s2] =	stream.linear.scatter [tilespmem:s15], [sflag:$0x3], $0xC80, $0x38;
	[tilespmem:$0x4C80] =	vst v63  }
0x4e: {  	_ =	swait.ge [sflag:s6], $0xC80  }
0x4f: {  	[sflag:s6] =	ssyncset.done $0x0  }
0x50: {  	s1 =	rddreg [dreg:$0xa];
	[sflag:s6] =	ssyncadd.s32 $0xFFFFF380  }
0x51: {  	[tilespmem:s2], [sflag:$0x3] =	stream.linear.gather [hbm4b:s1+s2], $0xC80, $0x38;
	[tilespmem:$0x4C80] =	vst v63  }
0x52: {  	_ =	swait.ge [sflag:s6], $0xC80  }
0x53: {  	[sflag:s6] =	ssyncset.done $0x0  }
0x54: {  	[sflag:s6] =	ssyncadd.s32 $0xFFFFF380  }
0x55: {  	[tilespmem:s17], [sflag:$0x1] =	stream.indirect.gather [hbm4b:s3+s17], $0x1, s2, s17, $0xb8;
	[tilespmem:$0x4C80] =	vst v63  }
0x56: {  	_ = 	snop  }
0x57: {  	[tilespmem:s15], [sflag:$0x2] =	stream.indirect.gather [hbm4b:s4+s17], $0x1, s2, s17, $0xb8;
	[tilespmem:$0x4C80] =	vst v63  }
0x58: {  	_ =	swait.ge [sflag:s10], $0xC80  }
0x59: {  	[sflag:s10] =	ssyncset.done $0x0  }
0x5a: {  	[sflag:s10] =	ssyncadd.s32 $0xFFFFF380  }
0x5b: {  	_ =	swait.ge [sflag:s11], $0xC80  }
0x5c: {  	[sflag:s11] =	ssyncset.done $0x0  }
0x5d: {  	s1 =	rddreg [dreg:$0xb];
	[sflag:s11] =	ssyncadd.s32 $0xFFFFF380  }
0x5e: {  	[hbm4b:s1+s2] =	stream.linear.scatter [tilespmem:s13], [sflag:$0x3], $0xC80, $0x38;
	[tilespmem:$0x4C80] =	vst v63  }
0x5f: {  	_ =	swait.ge [sflag:s6], $0xC80  }
0x60: {  	[sflag:s6] =	ssyncset.done $0x0  }
0x61: {  	s1 =	rddreg [dreg:$0xc];
	[sflag:s6] =	ssyncadd.s32 $0xFFFFF380  }
0x62: {  	[hbm4b:s1+s2] =	stream.linear.scatter [tilespmem:s12], [sflag:$0x3], $0xC80, $0x38;
	[tilespmem:$0x4C80] =	vst v63  }
0x63: {  	_ =	swait.ge [sflag:s6], $0xC80  }
0x64: {  	[sflag:s6] =	ssyncset.done $0x0  }
0x65: {  	s1 =	rddreg [dreg:$0xd];
	[sflag:s6] =	ssyncadd.s32 $0xFFFFF380  }
0x66: {  	[tilespmem:s19], [sflag:$0x3] =	stream.linear.gather [hbm4b:s1+s2], $0xC80, $0x38;
	[tilespmem:$0x4C80] =	vst v63  }
0x67: {  	_ =	swait.ge [sflag:s6], $0xC80  }
0x68: {  	[sflag:s6] =	ssyncset.done $0x0  }
0x69: {  	[sflag:s6] =	ssyncadd.s32 $0xFFFFF380  }
0x6a: {  	[tilespmem:s13], [sflag:$0x1] =	stream.indirect.gather [hbm4b:s3+s17], $0x1, s19, s17, $0xb8;
	[tilespmem:$0x4C80] =	vst v63  }
0x6b: {  	_ = 	snop  }
0x6c: {  	[tilespmem:s12], [sflag:$0x2] =	stream.indirect.gather [hbm4b:s4+s17], $0x1, s19, s17, $0xb8;
	[tilespmem:$0x4C80] =	vst v63  }
0x6d: {  	_ =	swait.ge [sflag:s10], $0xC80  }
0x6e: {  	[sflag:s10] =	ssyncset.done $0x0  }
0x6f: {  	[sflag:s10] =	ssyncadd.s32 $0xFFFFF380  }
0x70: {  	_ =	swait.ge [sflag:s11], $0xC80  }
0x71: {  	[sflag:s11] =	ssyncset.done $0x0  }
0x72: {  	s1 =	rddreg [dreg:$0xe];
	[sflag:s11] =	ssyncadd.s32 $0xFFFFF380  }
0x73: {  	[hbm4b:s1+s2] =	stream.linear.scatter [tilespmem:s17], [sflag:$0x3], $0xC80, $0x38;
	[tilespmem:$0x4C80] =	vst v63  }
0x74: {  	_ =	swait.ge [sflag:s6], $0xC80  }
0x75: {  	[sflag:s6] =	ssyncset.done $0x0  }
0x76: {  	s1 =	rddreg [dreg:$0xf];
	[sflag:s6] =	ssyncadd.s32 $0xFFFFF380  }
0x77: {  	[hbm4b:s1+s2] =	stream.linear.scatter [tilespmem:s15], [sflag:$0x3], $0xC80, $0x38;
	[tilespmem:$0x4C80] =	vst v63  }
0x78: {  	_ =	swait.ge [sflag:s6], $0xC80  }
0x79: {  	[sflag:s6] =	ssyncset.done $0x0  }
0x7a: {  	[sflag:s6] =	ssyncadd.s32 $0xFFFFF380  }
0x7b: {  	[tilespmem:s2], [sflag:$0x3] =	stream.linear.gather [hbm4b:s26+s2], $0xC80, $0x38;
	[tilespmem:$0x4C80] =	vst v63  }
0x7c: {  	_ =	swait.ge [sflag:s6], $0xC80  }
0x7d: {  	[sflag:s6] =	ssyncset.done $0x0  }
0x7e: {  	[sflag:s6] =	ssyncadd.s32 $0xFFFFF380  }
0x7f: {  	[tilespmem:s17], [sflag:$0x1] =	stream.indirect.gather [hbm4b:s3+s17], $0x1, s2, s17, $0xb8;
	[tilespmem:$0x4C80] =	vst v63  }
0x80: {  	_ = 	snop  }
0x81: {  	[tilespmem:s15], [sflag:$0x2] =	stream.indirect.gather [hbm4b:s4+s17], $0x1, s2, s17, $0xb8;
	[tilespmem:$0x4C80] =	vst v63  }
0x82: {  	_ =	swait.ge [sflag:s10], $0xC80  }
0x83: {  	[sflag:s10] =	ssyncset.done $0x0  }
0x84: {  	[sflag:s10] =	ssyncadd.s32 $0xFFFFF380  }
0x85: {  	_ =	swait.ge [sflag:s11], $0xC80  }
0x86: {  	[sflag:s11] =	ssyncset.done $0x0  }
0x87: {  	[sflag:s11] =	ssyncadd.s32 $0xFFFFF380  }
0x88: {  	[hbm4b:s25+s2] =	stream.linear.scatter [tilespmem:s13], [sflag:$0x3], $0xC80, $0x38;
	[tilespmem:$0x4C80] =	vst v63  }
0x89: {  	_ =	swait.ge [sflag:s6], $0xC80  }
0x8a: {  	[sflag:s6] =	ssyncset.done $0x0  }
0x8b: {  	[sflag:s6] =	ssyncadd.s32 $0xFFFFF380  }
0x8c: {  	[hbm4b:s24+s2] =	stream.linear.scatter [tilespmem:s12], [sflag:$0x3], $0xC80, $0x38;
	[tilespmem:$0x4C80] =	vst v63  }
0x8d: {  	_ =	swait.ge [sflag:s6], $0xC80  }
0x8e: {  	[sflag:s6] =	ssyncset.done $0x0  }
0x8f: {  	[sflag:s6] =	ssyncadd.s32 $0xFFFFF380  }
0x90: {  	[tilespmem:s19], [sflag:$0x3] =	stream.linear.gather [hbm4b:s23+s2], $0xC80, $0x38;
	[tilespmem:$0x4C80] =	vst v63  }
0x91: {  	_ =	swait.ge [sflag:s6], $0xC80  }
0x92: {  	[sflag:s6] =	ssyncset.done $0x0  }
0x93: {  	[sflag:s6] =	ssyncadd.s32 $0xFFFFF380  }
0x94: {  	[tilespmem:s13], [sflag:$0x1] =	stream.indirect.gather [hbm4b:s3+s17], $0x1, s19, s17, $0xb8;
	[tilespmem:$0x4C80] =	vst v63  }
0x95: {  	_ = 	snop  }
0x96: {  	[tilespmem:s12], [sflag:$0x2] =	stream.indirect.gather [hbm4b:s4+s17], $0x1, s19, s17, $0xb8;
	[tilespmem:$0x4C80] =	vst v63  }
0x97: {  	_ =	swait.ge [sflag:s10], $0xC80  }
0x98: {  	[sflag:s10] =	ssyncset.done $0x0  }
0x99: {  	[sflag:s10] =	ssyncadd.s32 $0xFFFFF380  }
0x9a: {  	_ =	swait.ge [sflag:s11], $0xC80  }
0x9b: {  	[sflag:s11] =	ssyncset.done $0x0  }
0x9c: {  	[sflag:s11] =	ssyncadd.s32 $0xFFFFF380  }
0x9d: {  	[hbm4b:s22+s2] =	stream.linear.scatter [tilespmem:s17], [sflag:$0x3], $0xC80, $0x38;
	[tilespmem:$0x4C80] =	vst v63  }
0x9e: {  	_ =	swait.ge [sflag:s6], $0xC80  }
0x9f: {  	[sflag:s6] =	ssyncset.done $0x0  }
0xa0: {  	[sflag:s6] =	ssyncadd.s32 $0xFFFFF380  }
0xa1: {  	[hbm4b:s21+s2] =	stream.linear.scatter [tilespmem:s15], [sflag:$0x3], $0xC80, $0x38;
	[tilespmem:$0x4C80] =	vst v63  }
0xa2: {  	_ =	swait.ge [sflag:s6], $0xC80  }
0xa3: {  	[sflag:s6] =	ssyncset.done $0x0  }
0xa4: {  	[sflag:s6] =	ssyncadd.s32 $0xFFFFF380  }
0xa5: {  	[tilespmem:s2], [sflag:$0x3] =	stream.linear.gather [hbm4b:s20+s2], $0xC80, $0x38;
	[tilespmem:$0x4C80] =	vst v63  }
0xa6: {  	_ =	swait.ge [sflag:s6], $0xC80  }
0xa7: {  	[sflag:s6] =	ssyncset.done $0x0  }
0xa8: {  	[sflag:s6] =	ssyncadd.s32 $0xFFFFF380  }
0xa9: {  	[tilespmem:s17], [sflag:$0x1] =	stream.indirect.gather [hbm4b:s3+s17], $0x1, s2, s17, $0xb8;
	[tilespmem:$0x4C80] =	vst v63  }
0xaa: {  	_ = 	snop  }
0xab: {  	[tilespmem:s15], [sflag:$0x2] =	stream.indirect.gather [hbm4b:s4+s17], $0x1, s2, s17, $0xb8;
	[tilespmem:$0x4C80] =	vst v63  }
0xac: {  	_ =	swait.ge [sflag:s10], $0xC80  }
0xad: {  	[sflag:s10] =	ssyncset.done $0x0  }
0xae: {  	[sflag:s10] =	ssyncadd.s32 $0xFFFFF380  }
0xaf: {  	_ =	swait.ge [sflag:s11], $0xC80  }
0xb0: {  	[sflag:s11] =	ssyncset.done $0x0  }
0xb1: {  	[sflag:s11] =	ssyncadd.s32 $0xFFFFF380  }
0xb2: {  	[hbm4b:s18+s2] =	stream.linear.scatter [tilespmem:s13], [sflag:$0x3], $0xC80, $0x38;
	[tilespmem:$0x4C80] =	vst v63  }
0xb3: {  	_ =	swait.ge [sflag:s6], $0xC80  }
0xb4: {  	[sflag:s6] =	ssyncset.done $0x0  }
0xb5: {  	[sflag:s6] =	ssyncadd.s32 $0xFFFFF380  }
0xb6: {  	[hbm4b:s16+s2] =	stream.linear.scatter [tilespmem:s12], [sflag:$0x3], $0xC80, $0x38;
	[tilespmem:$0x4C80] =	vst v63  }
0xb7: {  	_ =	swait.ge [sflag:s6], $0xC80  }
0xb8: {  	[sflag:s6] =	ssyncset.done $0x0  }
0xb9: {  	[sflag:s6] =	ssyncadd.s32 $0xFFFFF380  }
0xba: {  	[tilespmem:s19], [sflag:$0x3] =	stream.linear.gather [hbm4b:s14+s2], $0xC80, $0x38;
	[tilespmem:$0x4C80] =	vst v63  }
0xbb: {  	_ =	swait.ge [sflag:s6], $0xC80  }
0xbc: {  	[sflag:s6] =	ssyncset.done $0x0  }
0xbd: {  	[sflag:s6] =	ssyncadd.s32 $0xFFFFF380  }
0xbe: {  	[tilespmem:s13], [sflag:$0x1] =	stream.indirect.gather [hbm4b:s3+s17], $0x1, s19, s17, $0xb8;
	[tilespmem:$0x4C80] =	vst v63  }
0xbf: {  	_ = 	snop  }
0xc0: {  	[tilespmem:s12], [sflag:$0x2] =	stream.indirect.gather [hbm4b:s4+s17], $0x1, s19, s17, $0xb8;
	[tilespmem:$0x4C80] =	vst v63  }
0xc1: {  	_ =	swait.ge [sflag:s10], $0xC80  }
0xc2: {  	[sflag:s10] =	ssyncset.done $0x0  }
0xc3: {  	[sflag:s10] =	ssyncadd.s32 $0xFFFFF380  }
0xc4: {  	_ =	swait.ge [sflag:s11], $0xC80  }
0xc5: {  	[sflag:s11] =	ssyncset.done $0x0  }
0xc6: {  	[sflag:s11] =	ssyncadd.s32 $0xFFFFF380  }
0xc7: {  	[hbm4b:s9+s2] =	stream.linear.scatter [tilespmem:s17], [sflag:$0x3], $0xC80, $0x38;
	[tilespmem:$0x4C80] =	vst v63  }
0xc8: {  	_ =	swait.ge [sflag:s6], $0xC80  }
0xc9: {  	[sflag:s6] =	ssyncset.done $0x0  }
0xca: {  	[sflag:s6] =	ssyncadd.s32 $0xFFFFF380  }
0xcb: {  	[hbm4b:s8+s2] =	stream.linear.scatter [tilespmem:s15], [sflag:$0x3], $0xC80, $0x38;
	[tilespmem:$0x4C80] =	vst v63  }
0xcc: {  	_ =	swait.ge [sflag:s6], $0xC80  }
0xcd: {  	[sflag:s6] =	ssyncset.done $0x0  }
0xce: {  	[sflag:s6] =	ssyncadd.s32 $0xFFFFF380  }
0xcf: {  	_ =	swait.ge [sflag:s10], $0xC80  }
0xd0: {  	[sflag:s10] =	ssyncset.done $0x0  }
0xd1: {  	[sflag:s10] =	ssyncadd.s32 $0xFFFFF380  }
0xd2: {  	_ =	swait.ge [sflag:s11], $0xC80  }
0xd3: {  	[sflag:s11] =	ssyncset.done $0x0  }
0xd4: {  	[sflag:s11] =	ssyncadd.s32 $0xFFFFF380  }
0xd5: {  	[hbm4b:s7+s2] =	stream.linear.scatter [tilespmem:s13], [sflag:$0x3], $0xC80, $0x38;
	[tilespmem:$0x4C80] =	vst v63  }
0xd6: {  	p1 =	sne.s32 s0, $0x1;
	_ =	swait.ge [sflag:s6], $0xC80  }
.Ltmp1:
0xd7: {  	[sflag:s6] =	ssyncset.done $0x0;
	(pc) =	sbr.rel @!p1 .LBB2_3-.Ltmp1, $4  }
0xd8: {  	[sflag:s6] =	ssyncadd.s32 $0xFFFFF380  }
0xd9: {  	[hbm4b:s5+s2] =	stream.linear.scatter [tilespmem:s12], [sflag:$0x3], $0xC80, $0x38;
	[tilespmem:$0x4C80] =	vst v63  }
0xda: {  	s0 =	sadd.s32 $0xFFFFFFFF, s0;
	_ =	swait.ge [sflag:s6], $0xC80  }
0xdb: {  	p0 =	por $0x1, $0x1;
	s1 =	rddreg [dreg:$0x3];
	[sflag:s6] =	ssyncset.done $0x0  }
.LBB2_2:
0xdc: {  	[sflag:s6] =	ssyncadd.s32 $0xFFFFF380  }
0xdd: {  	[tilespmem:s30], [sflag:$0x3] =	stream.linear.gather [hbm4b:s1+s2], $0x80, $0x38;
	[tilespmem:$0x4C80] =	vst v63  }
0xde: {  	_ =	swait.ge [sflag:s6], $0x80  }
0xdf: {  	[sflag:s6] =	ssyncset.done $0x0  }
0xe0: {  	[sflag:s6] =	ssyncadd.s32 $0xFFFFFF80  }
0xe1: {  	[tilespmem:s29], [sflag:$0x1] =	stream.indirect.gather [hbm4b:s3+s31], $0x1, s30, s31, $0xb8;
	[tilespmem:$0x4C80] =	vst v63  }
0xe2: {  	_ = 	snop  }
0xe3: {  	[tilespmem:s28], [sflag:$0x2] =	stream.indirect.gather [hbm4b:s4+s31], $0x1, s30, s31, $0xb8;
	[tilespmem:$0x4C80] =	vst v63  }
0xe4: {  	_ =	swait.ge [sflag:s10], $0x80  }
0xe5: {  	[sflag:s10] =	ssyncset.done $0x0  }
0xe6: {  	[sflag:s10] =	ssyncadd.s32 $0xFFFFFF80  }
0xe7: {  	_ =	swait.ge [sflag:s11], $0x80  }
0xe8: {  	[sflag:s11] =	ssyncset.done $0x0  }
0xe9: {  	s1 =	rddreg [dreg:$0x4];
	[sflag:s11] =	ssyncadd.s32 $0xFFFFFF80  }
0xea: {  	[hbm4b:s1+s2] =	stream.linear.scatter [tilespmem:s29], [sflag:$0x3], $0x80, $0x38;
	[tilespmem:$0x4C80] =	vst v63  }
0xeb: {  	_ =	swait.ge [sflag:s6], $0x80  }
0xec: {  	[sflag:s6] =	ssyncset.done $0x0  }
0xed: {  	s1 =	rddreg [dreg:$0x5];
	[sflag:s6] =	ssyncadd.s32 $0xFFFFFF80  }
0xee: {  	[hbm4b:s1+s2] =	stream.linear.scatter [tilespmem:s28], [sflag:$0x3], $0x80, $0x38;
	[tilespmem:$0x4C80] =	vst v63  }
0xef: {  	_ =	swait.ge [sflag:s6], $0x80  }
0xf0: {  	[sflag:s6] =	ssyncset.done $0x0  }
0xf1: {  	s1 =	rddreg [dreg:$0x6];
	[sflag:s6] =	ssyncadd.s32 $0xFFFFFF80  }
0xf2: {  	[tilespmem:s2], [sflag:$0x3] =	stream.linear.gather [hbm4b:s1+s2], $0xC80, $0x38;
	[tilespmem:$0x4C80] =	vst v63  }
0xf3: {  	_ =	swait.ge [sflag:s6], $0xC80  }
0xf4: {  	[sflag:s6] =	ssyncset.done $0x0  }
0xf5: {  	[sflag:s6] =	ssyncadd.s32 $0xFFFFF380  }
0xf6: {  	[tilespmem:s17], [sflag:$0x1] =	stream.indirect.gather [hbm4b:s3+s17], $0x1, s2, s17, $0xb8;
	[tilespmem:$0x4C80] =	vst v63  }
0xf7: {  	_ = 	snop  }
0xf8: {  	[tilespmem:s15], [sflag:$0x2] =	stream.indirect.gather [hbm4b:s4+s17], $0x1, s2, s17, $0xb8;
	[tilespmem:$0x4C80] =	vst v63  }
0xf9: {  	s1 =	rddreg [dreg:$0x7]  }
0xfa: {  	[tilespmem:s19], [sflag:$0x3] =	stream.linear.gather [hbm4b:s1+s2], $0xC80, $0x38;
	[tilespmem:$0x4C80] =	vst v63  }
0xfb: {  	_ =	swait.ge [sflag:s6], $0xC80  }
0xfc: {  	[sflag:s6] =	ssyncset.done $0x0  }
0xfd: {  	[sflag:s6] =	ssyncadd.s32 $0xFFFFF380  }
0xfe: {  	[tilespmem:s13], [sflag:$0x1] =	stream.indirect.gather [hbm4b:s3+s17], $0x1, s19, s17, $0xb8;
	[tilespmem:$0x4C80] =	vst v63  }
0xff: {  	_ = 	snop  }
0x100: {  	[tilespmem:s12], [sflag:$0x2] =	stream.indirect.gather [hbm4b:s4+s17], $0x1, s19, s17, $0xb8;
	[tilespmem:$0x4C80] =	vst v63  }
0x101: {  	_ =	swait.ge [sflag:s10], $0xC80  }
0x102: {  	[sflag:s10] =	ssyncset.done $0x0  }
0x103: {  	[sflag:s10] =	ssyncadd.s32 $0xFFFFF380  }
0x104: {  	_ =	swait.ge [sflag:s11], $0xC80  }
0x105: {  	[sflag:s11] =	ssyncset.done $0x0  }
0x106: {  	s1 =	rddreg [dreg:$0x8];
	[sflag:s11] =	ssyncadd.s32 $0xFFFFF380  }
0x107: {  	[hbm4b:s1+s2] =	stream.linear.scatter [tilespmem:s17], [sflag:$0x3], $0xC80, $0x38;
	[tilespmem:$0x4C80] =	vst v63  }
0x108: {  	_ =	swait.ge [sflag:s6], $0xC80  }
0x109: {  	[sflag:s6] =	ssyncset.done $0x0  }
0x10a: {  	s1 =	rddreg [dreg:$0x9];
	[sflag:s6] =	ssyncadd.s32 $0xFFFFF380  }
0x10b: {  	[hbm4b:s1+s2] =	stream.linear.scatter [tilespmem:s15], [sflag:$0x3], $0xC80, $0x38;
	[tilespmem:$0x4C80] =	vst v63  }
0x10c: {  	_ =	swait.ge [sflag:s6], $0xC80  }
0x10d: {  	[sflag:s6] =	ssyncset.done $0x0  }
0x10e: {  	s1 =	rddreg [dreg:$0xa];
	[sflag:s6] =	ssyncadd.s32 $0xFFFFF380  }
0x10f: {  	[tilespmem:s2], [sflag:$0x3] =	stream.linear.gather [hbm4b:s1+s2], $0xC80, $0x38;
	[tilespmem:$0x4C80] =	vst v63  }
0x110: {  	_ =	swait.ge [sflag:s6], $0xC80  }
0x111: {  	[sflag:s6] =	ssyncset.done $0x0  }
0x112: {  	[sflag:s6] =	ssyncadd.s32 $0xFFFFF380  }
0x113: {  	[tilespmem:s17], [sflag:$0x1] =	stream.indirect.gather [hbm4b:s3+s17], $0x1, s2, s17, $0xb8;
	[tilespmem:$0x4C80] =	vst v63  }
0x114: {  	_ = 	snop  }
0x115: {  	[tilespmem:s15], [sflag:$0x2] =	stream.indirect.gather [hbm4b:s4+s17], $0x1, s2, s17, $0xb8;
	[tilespmem:$0x4C80] =	vst v63  }
0x116: {  	_ =	swait.ge [sflag:s10], $0xC80  }
0x117: {  	[sflag:s10] =	ssyncset.done $0x0  }
0x118: {  	[sflag:s10] =	ssyncadd.s32 $0xFFFFF380  }
0x119: {  	_ =	swait.ge [sflag:s11], $0xC80  }
0x11a: {  	[sflag:s11] =	ssyncset.done $0x0  }
0x11b: {  	s1 =	rddreg [dreg:$0xb];
	[sflag:s11] =	ssyncadd.s32 $0xFFFFF380  }
0x11c: {  	[hbm4b:s1+s2] =	stream.linear.scatter [tilespmem:s13], [sflag:$0x3], $0xC80, $0x38;
	[tilespmem:$0x4C80] =	vst v63  }
0x11d: {  	_ =	swait.ge [sflag:s6], $0xC80  }
0x11e: {  	[sflag:s6] =	ssyncset.done $0x0  }
0x11f: {  	s1 =	rddreg [dreg:$0xc];
	[sflag:s6] =	ssyncadd.s32 $0xFFFFF380  }
0x120: {  	[hbm4b:s1+s2] =	stream.linear.scatter [tilespmem:s12], [sflag:$0x3], $0xC80, $0x38;
	[tilespmem:$0x4C80] =	vst v63  }
0x121: {  	_ =	swait.ge [sflag:s6], $0xC80  }
0x122: {  	[sflag:s6] =	ssyncset.done $0x0  }
0x123: {  	s1 =	rddreg [dreg:$0xd];
	[sflag:s6] =	ssyncadd.s32 $0xFFFFF380  }
0x124: {  	[tilespmem:s19], [sflag:$0x3] =	stream.linear.gather [hbm4b:s1+s2], $0xC80, $0x38;
	[tilespmem:$0x4C80] =	vst v63  }
0x125: {  	_ =	swait.ge [sflag:s6], $0xC80  }
0x126: {  	[sflag:s6] =	ssyncset.done $0x0  }
0x127: {  	[sflag:s6] =	ssyncadd.s32 $0xFFFFF380  }
0x128: {  	[tilespmem:s13], [sflag:$0x1] =	stream.indirect.gather [hbm4b:s3+s17], $0x1, s19, s17, $0xb8;
	[tilespmem:$0x4C80] =	vst v63  }
0x129: {  	_ = 	snop  }
0x12a: {  	[tilespmem:s12], [sflag:$0x2] =	stream.indirect.gather [hbm4b:s4+s17], $0x1, s19, s17, $0xb8;
	[tilespmem:$0x4C80] =	vst v63  }
0x12b: {  	_ =	swait.ge [sflag:s10], $0xC80  }
0x12c: {  	[sflag:s10] =	ssyncset.done $0x0  }
0x12d: {  	[sflag:s10] =	ssyncadd.s32 $0xFFFFF380  }
0x12e: {  	_ =	swait.ge [sflag:s11], $0xC80  }
0x12f: {  	[sflag:s11] =	ssyncset.done $0x0  }
0x130: {  	s1 =	rddreg [dreg:$0xe];
	[sflag:s11] =	ssyncadd.s32 $0xFFFFF380  }
0x131: {  	[hbm4b:s1+s2] =	stream.linear.scatter [tilespmem:s17], [sflag:$0x3], $0xC80, $0x38;
	[tilespmem:$0x4C80] =	vst v63  }
0x132: {  	_ =	swait.ge [sflag:s6], $0xC80  }
0x133: {  	[sflag:s6] =	ssyncset.done $0x0  }
0x134: {  	s1 =	rddreg [dreg:$0xf];
	[sflag:s6] =	ssyncadd.s32 $0xFFFFF380  }
0x135: {  	[hbm4b:s1+s2] =	stream.linear.scatter [tilespmem:s15], [sflag:$0x3], $0xC80, $0x38;
	[tilespmem:$0x4C80] =	vst v63  }
0x136: {  	_ =	swait.ge [sflag:s6], $0xC80  }
0x137: {  	[sflag:s6] =	ssyncset.done $0x0  }
0x138: {  	[sflag:s6] =	ssyncadd.s32 $0xFFFFF380  }
0x139: {  	[tilespmem:s2], [sflag:$0x3] =	stream.linear.gather [hbm4b:s26+s2], $0xC80, $0x38;
	[tilespmem:$0x4C80] =	vst v63  }
0x13a: {  	_ =	swait.ge [sflag:s6], $0xC80  }
0x13b: {  	[sflag:s6] =	ssyncset.done $0x0  }
0x13c: {  	[sflag:s6] =	ssyncadd.s32 $0xFFFFF380  }
0x13d: {  	[tilespmem:s17], [sflag:$0x1] =	stream.indirect.gather [hbm4b:s3+s17], $0x1, s2, s17, $0xb8;
	[tilespmem:$0x4C80] =	vst v63  }
0x13e: {  	_ = 	snop  }
0x13f: {  	[tilespmem:s15], [sflag:$0x2] =	stream.indirect.gather [hbm4b:s4+s17], $0x1, s2, s17, $0xb8;
	[tilespmem:$0x4C80] =	vst v63  }
0x140: {  	_ =	swait.ge [sflag:s10], $0xC80  }
0x141: {  	[sflag:s10] =	ssyncset.done $0x0  }
0x142: {  	[sflag:s10] =	ssyncadd.s32 $0xFFFFF380  }
0x143: {  	_ =	swait.ge [sflag:s11], $0xC80  }
0x144: {  	[sflag:s11] =	ssyncset.done $0x0  }
0x145: {  	[sflag:s11] =	ssyncadd.s32 $0xFFFFF380  }
0x146: {  	[hbm4b:s25+s2] =	stream.linear.scatter [tilespmem:s13], [sflag:$0x3], $0xC80, $0x38;
	[tilespmem:$0x4C80] =	vst v63  }
0x147: {  	_ =	swait.ge [sflag:s6], $0xC80  }
0x148: {  	[sflag:s6] =	ssyncset.done $0x0  }
0x149: {  	[sflag:s6] =	ssyncadd.s32 $0xFFFFF380  }
0x14a: {  	[hbm4b:s24+s2] =	stream.linear.scatter [tilespmem:s12], [sflag:$0x3], $0xC80, $0x38;
	[tilespmem:$0x4C80] =	vst v63  }
0x14b: {  	_ =	swait.ge [sflag:s6], $0xC80  }
0x14c: {  	[sflag:s6] =	ssyncset.done $0x0  }
0x14d: {  	[sflag:s6] =	ssyncadd.s32 $0xFFFFF380  }
0x14e: {  	[tilespmem:s19], [sflag:$0x3] =	stream.linear.gather [hbm4b:s23+s2], $0xC80, $0x38;
	[tilespmem:$0x4C80] =	vst v63  }
0x14f: {  	_ =	swait.ge [sflag:s6], $0xC80  }
0x150: {  	[sflag:s6] =	ssyncset.done $0x0  }
0x151: {  	[sflag:s6] =	ssyncadd.s32 $0xFFFFF380  }
0x152: {  	[tilespmem:s13], [sflag:$0x1] =	stream.indirect.gather [hbm4b:s3+s17], $0x1, s19, s17, $0xb8;
	[tilespmem:$0x4C80] =	vst v63  }
0x153: {  	_ = 	snop  }
0x154: {  	[tilespmem:s12], [sflag:$0x2] =	stream.indirect.gather [hbm4b:s4+s17], $0x1, s19, s17, $0xb8;
	[tilespmem:$0x4C80] =	vst v63  }
0x155: {  	_ =	swait.ge [sflag:s10], $0xC80  }
0x156: {  	[sflag:s10] =	ssyncset.done $0x0  }
0x157: {  	[sflag:s10] =	ssyncadd.s32 $0xFFFFF380  }
0x158: {  	_ =	swait.ge [sflag:s11], $0xC80  }
0x159: {  	[sflag:s11] =	ssyncset.done $0x0  }
0x15a: {  	[sflag:s11] =	ssyncadd.s32 $0xFFFFF380  }
0x15b: {  	[hbm4b:s22+s2] =	stream.linear.scatter [tilespmem:s17], [sflag:$0x3], $0xC80, $0x38;
	[tilespmem:$0x4C80] =	vst v63  }
0x15c: {  	_ =	swait.ge [sflag:s6], $0xC80  }
0x15d: {  	[sflag:s6] =	ssyncset.done $0x0  }
0x15e: {  	[sflag:s6] =	ssyncadd.s32 $0xFFFFF380  }
0x15f: {  	[hbm4b:s21+s2] =	stream.linear.scatter [tilespmem:s15], [sflag:$0x3], $0xC80, $0x38;
	[tilespmem:$0x4C80] =	vst v63  }
0x160: {  	_ =	swait.ge [sflag:s6], $0xC80  }
0x161: {  	[sflag:s6] =	ssyncset.done $0x0  }
0x162: {  	[sflag:s6] =	ssyncadd.s32 $0xFFFFF380  }
0x163: {  	[tilespmem:s2], [sflag:$0x3] =	stream.linear.gather [hbm4b:s20+s2], $0xC80, $0x38;
	[tilespmem:$0x4C80] =	vst v63  }
0x164: {  	_ =	swait.ge [sflag:s6], $0xC80  }
0x165: {  	[sflag:s6] =	ssyncset.done $0x0  }
0x166: {  	[sflag:s6] =	ssyncadd.s32 $0xFFFFF380  }
0x167: {  	[tilespmem:s17], [sflag:$0x1] =	stream.indirect.gather [hbm4b:s3+s17], $0x1, s2, s17, $0xb8;
	[tilespmem:$0x4C80] =	vst v63  }
0x168: {  	_ = 	snop  }
0x169: {  	[tilespmem:s15], [sflag:$0x2] =	stream.indirect.gather [hbm4b:s4+s17], $0x1, s2, s17, $0xb8;
	[tilespmem:$0x4C80] =	vst v63  }
0x16a: {  	_ =	swait.ge [sflag:s10], $0xC80  }
0x16b: {  	[sflag:s10] =	ssyncset.done $0x0  }
0x16c: {  	[sflag:s10] =	ssyncadd.s32 $0xFFFFF380  }
0x16d: {  	_ =	swait.ge [sflag:s11], $0xC80  }
0x16e: {  	[sflag:s11] =	ssyncset.done $0x0  }
0x16f: {  	[sflag:s11] =	ssyncadd.s32 $0xFFFFF380  }
0x170: {  	[hbm4b:s18+s2] =	stream.linear.scatter [tilespmem:s13], [sflag:$0x3], $0xC80, $0x38;
	[tilespmem:$0x4C80] =	vst v63  }
0x171: {  	_ =	swait.ge [sflag:s6], $0xC80  }
0x172: {  	[sflag:s6] =	ssyncset.done $0x0  }
0x173: {  	[sflag:s6] =	ssyncadd.s32 $0xFFFFF380  }
0x174: {  	[hbm4b:s16+s2] =	stream.linear.scatter [tilespmem:s12], [sflag:$0x3], $0xC80, $0x38;
	[tilespmem:$0x4C80] =	vst v63  }
0x175: {  	_ =	swait.ge [sflag:s6], $0xC80  }
0x176: {  	[sflag:s6] =	ssyncset.done $0x0  }
0x177: {  	[sflag:s6] =	ssyncadd.s32 $0xFFFFF380  }
0x178: {  	[tilespmem:s19], [sflag:$0x3] =	stream.linear.gather [hbm4b:s14+s2], $0xC80, $0x38;
	[tilespmem:$0x4C80] =	vst v63  }
0x179: {  	_ =	swait.ge [sflag:s6], $0xC80  }
0x17a: {  	[sflag:s6] =	ssyncset.done $0x0  }
0x17b: {  	[sflag:s6] =	ssyncadd.s32 $0xFFFFF380  }
0x17c: {  	[tilespmem:s13], [sflag:$0x1] =	stream.indirect.gather [hbm4b:s3+s17], $0x1, s19, s17, $0xb8;
	[tilespmem:$0x4C80] =	vst v63  }
0x17d: {  	_ = 	snop  }
0x17e: {  	[tilespmem:s12], [sflag:$0x2] =	stream.indirect.gather [hbm4b:s4+s17], $0x1, s19, s17, $0xb8;
	[tilespmem:$0x4C80] =	vst v63  }
0x17f: {  	_ =	swait.ge [sflag:s10], $0xC80  }
0x180: {  	[sflag:s10] =	ssyncset.done $0x0  }
0x181: {  	[sflag:s10] =	ssyncadd.s32 $0xFFFFF380  }
0x182: {  	_ =	swait.ge [sflag:s11], $0xC80  }
0x183: {  	[sflag:s11] =	ssyncset.done $0x0  }
0x184: {  	[sflag:s11] =	ssyncadd.s32 $0xFFFFF380  }
0x185: {  	[hbm4b:s9+s2] =	stream.linear.scatter [tilespmem:s17], [sflag:$0x3], $0xC80, $0x38;
	[tilespmem:$0x4C80] =	vst v63  }
0x186: {  	_ =	swait.ge [sflag:s6], $0xC80  }
0x187: {  	[sflag:s6] =	ssyncset.done $0x0  }
0x188: {  	[sflag:s6] =	ssyncadd.s32 $0xFFFFF380  }
0x189: {  	[hbm4b:s8+s2] =	stream.linear.scatter [tilespmem:s15], [sflag:$0x3], $0xC80, $0x38;
	[tilespmem:$0x4C80] =	vst v63  }
0x18a: {  	_ =	swait.ge [sflag:s6], $0xC80  }
0x18b: {  	[sflag:s6] =	ssyncset.done $0x0  }
0x18c: {  	[sflag:s6] =	ssyncadd.s32 $0xFFFFF380  }
0x18d: {  	_ =	swait.ge [sflag:s10], $0xC80  }
0x18e: {  	[sflag:s10] =	ssyncset.done $0x0  }
0x18f: {  	[sflag:s10] =	ssyncadd.s32 $0xFFFFF380  }
0x190: {  	_ =	swait.ge [sflag:s11], $0xC80  }
0x191: {  	[sflag:s11] =	ssyncset.done $0x0  }
0x192: {  	[sflag:s11] =	ssyncadd.s32 $0xFFFFF380  }
0x193: {  	[hbm4b:s7+s2] =	stream.linear.scatter [tilespmem:s13], [sflag:$0x3], $0xC80, $0x38;
	[tilespmem:$0x4C80] =	vst v63  }
0x194: {  	p1 =	sne.s32 s0, $0x1;
	_ =	swait.ge [sflag:s6], $0xC80  }
.Ltmp2:
0x195: {  	[sflag:s6] =	ssyncset.done $0x0;
	(pc) =	sbr.rel @p1 .LBB2_2-.Ltmp2, $4  }
0x196: {  	[sflag:s6] =	ssyncadd.s32 $0xFFFFF380  }
0x197: {  	[hbm4b:s5+s2] =	stream.linear.scatter [tilespmem:s12], [sflag:$0x3], $0xC80, $0x38;
	[tilespmem:$0x4C80] =	vst v63  }
0x198: {  	_ =	swait.ge [sflag:s6], $0xC80  }
0x199: {  	s0 =	sadd.s32 $0xFFFFFFFF, s0;
	s1 =	rddreg [dreg:$0x3];
	[sflag:s6] =	ssyncset.done $0x0  }
.LBB2_3:
0x19a: {  	[sflag:s6] =	ssyncadd.s32 @p0 $0xFFFFF380  }
0x19b: {  	[tilespmem:s30], [sflag:$0x3] =	stream.linear.gather [hbm4b:s1+s2], $0x80, $0x38;
	[tilespmem:$0x4C80] =	vst v63  }
0x19c: {  	_ =	swait.ge [sflag:s6], $0x80  }
0x19d: {  	[sflag:s6] =	ssyncset.done $0x0  }
0x19e: {  	[sflag:s6] =	ssyncadd.s32 $0xFFFFFF80  }
0x19f: {  	[tilespmem:s29], [sflag:$0x1] =	stream.indirect.gather [hbm4b:s3+s31], $0x1, s30, s31, $0xb8;
	[tilespmem:$0x4C80] =	vst v63  }
0x1a0: {  	_ = 	snop  }
0x1a1: {  	[tilespmem:s28], [sflag:$0x2] =	stream.indirect.gather [hbm4b:s4+s31], $0x1, s30, s31, $0xb8;
	[tilespmem:$0x4C80] =	vst v63  }
0x1a2: {  	_ =	swait.ge [sflag:s10], $0x80  }
0x1a3: {  	[sflag:s10] =	ssyncset.done $0x0  }
0x1a4: {  	[sflag:s10] =	ssyncadd.s32 $0xFFFFFF80  }
0x1a5: {  	_ =	swait.ge [sflag:s11], $0x80  }
0x1a6: {  	[sflag:s11] =	ssyncset.done $0x0  }
0x1a7: {  	s0 =	rddreg [dreg:$0x4];
	[sflag:s11] =	ssyncadd.s32 $0xFFFFFF80  }
0x1a8: {  	[hbm4b:s0+s2] =	stream.linear.scatter [tilespmem:s29], [sflag:$0x3], $0x80, $0x38;
	[tilespmem:$0x4C80] =	vst v63  }
0x1a9: {  	_ =	swait.ge [sflag:s6], $0x80  }
0x1aa: {  	[sflag:s6] =	ssyncset.done $0x0  }
0x1ab: {  	s30 =	rddreg [dreg:$0x5];
	[sflag:s6] =	ssyncadd.s32 $0xFFFFFF80  }
0x1ac: {  	[hbm4b:s30+s2] =	stream.linear.scatter [tilespmem:s28], [sflag:$0x3], $0x80, $0x38;
	[tilespmem:$0x4C80] =	vst v63  }
0x1ad: {  	_ =	swait.ge [sflag:s6], $0x80  }
0x1ae: {  	[sflag:s6] =	ssyncset.done $0x0  }
0x1af: {  	s31 =	rddreg [dreg:$0x6];
	[sflag:s6] =	ssyncadd.s32 $0xFFFFFF80  }
0x1b0: {  	[tilespmem:s2], [sflag:$0x3] =	stream.linear.gather [hbm4b:s31+s2], $0xC80, $0x38;
	[tilespmem:$0x4C80] =	vst v63  }
0x1b1: {  	_ =	swait.ge [sflag:s6], $0xC80  }
0x1b2: {  	[sflag:s6] =	ssyncset.done $0x0  }
0x1b3: {  	[sflag:s6] =	ssyncadd.s32 $0xFFFFF380  }
0x1b4: {  	[tilespmem:s17], [sflag:$0x1] =	stream.indirect.gather [hbm4b:s3+s17], $0x1, s2, s17, $0xb8;
	[tilespmem:$0x4C80] =	vst v63  }
0x1b5: {  	_ = 	snop  }
0x1b6: {  	[tilespmem:s15], [sflag:$0x2] =	stream.indirect.gather [hbm4b:s4+s17], $0x1, s2, s17, $0xb8;
	[tilespmem:$0x4C80] =	vst v63  }
0x1b7: {  	s1 =	rddreg [dreg:$0x7]  }
0x1b8: {  	[tilespmem:s19], [sflag:$0x3] =	stream.linear.gather [hbm4b:s1+s2], $0xC80, $0x38;
	[tilespmem:$0x4C80] =	vst v63  }
0x1b9: {  	_ =	swait.ge [sflag:s6], $0xC80  }
0x1ba: {  	[sflag:s6] =	ssyncset.done $0x0  }
0x1bb: {  	[sflag:s6] =	ssyncadd.s32 $0xFFFFF380  }
0x1bc: {  	[tilespmem:s13], [sflag:$0x1] =	stream.indirect.gather [hbm4b:s3+s17], $0x1, s19, s17, $0xb8;
	[tilespmem:$0x4C80] =	vst v63  }
0x1bd: {  	_ = 	snop  }
0x1be: {  	[tilespmem:s12], [sflag:$0x2] =	stream.indirect.gather [hbm4b:s4+s17], $0x1, s19, s17, $0xb8;
	[tilespmem:$0x4C80] =	vst v63  }
0x1bf: {  	_ =	swait.ge [sflag:s10], $0xC80  }
0x1c0: {  	[sflag:s10] =	ssyncset.done $0x0  }
0x1c1: {  	[sflag:s10] =	ssyncadd.s32 $0xFFFFF380  }
0x1c2: {  	_ =	swait.ge [sflag:s11], $0xC80  }
0x1c3: {  	[sflag:s11] =	ssyncset.done $0x0  }
0x1c4: {  	s28 =	rddreg [dreg:$0x8];
	[sflag:s11] =	ssyncadd.s32 $0xFFFFF380  }
0x1c5: {  	[hbm4b:s28+s2] =	stream.linear.scatter [tilespmem:s17], [sflag:$0x3], $0xC80, $0x38;
	[tilespmem:$0x4C80] =	vst v63  }
0x1c6: {  	_ =	swait.ge [sflag:s6], $0xC80  }
0x1c7: {  	[sflag:s6] =	ssyncset.done $0x0  }
0x1c8: {  	s29 =	rddreg [dreg:$0x9];
	[sflag:s6] =	ssyncadd.s32 $0xFFFFF380  }
0x1c9: {  	[hbm4b:s29+s2] =	stream.linear.scatter [tilespmem:s15], [sflag:$0x3], $0xC80, $0x38;
	[tilespmem:$0x4C80] =	vst v63  }
0x1ca: {  	_ =	swait.ge [sflag:s6], $0xC80  }
0x1cb: {  	[sflag:s6] =	ssyncset.done $0x0  }
0x1cc: {  	s30 =	rddreg [dreg:$0xa];
	[sflag:s6] =	ssyncadd.s32 $0xFFFFF380  }
0x1cd: {  	[tilespmem:s2], [sflag:$0x3] =	stream.linear.gather [hbm4b:s30+s2], $0xC80, $0x38;
	[tilespmem:$0x4C80] =	vst v63  }
0x1ce: {  	_ =	swait.ge [sflag:s6], $0xC80  }
0x1cf: {  	[sflag:s6] =	ssyncset.done $0x0  }
0x1d0: {  	[sflag:s6] =	ssyncadd.s32 $0xFFFFF380  }
0x1d1: {  	[tilespmem:s17], [sflag:$0x1] =	stream.indirect.gather [hbm4b:s3+s17], $0x1, s2, s17, $0xb8;
	[tilespmem:$0x4C80] =	vst v63  }
0x1d2: {  	_ = 	snop  }
0x1d3: {  	[tilespmem:s15], [sflag:$0x2] =	stream.indirect.gather [hbm4b:s4+s17], $0x1, s2, s17, $0xb8;
	[tilespmem:$0x4C80] =	vst v63  }
0x1d4: {  	_ =	swait.ge [sflag:s10], $0xC80  }
0x1d5: {  	[sflag:s10] =	ssyncset.done $0x0  }
0x1d6: {  	[sflag:s10] =	ssyncadd.s32 $0xFFFFF380  }
0x1d7: {  	_ =	swait.ge [sflag:s11], $0xC80  }
0x1d8: {  	[sflag:s11] =	ssyncset.done $0x0  }
0x1d9: {  	s31 =	rddreg [dreg:$0xb];
	[sflag:s11] =	ssyncadd.s32 $0xFFFFF380  }
0x1da: {  	[hbm4b:s31+s2] =	stream.linear.scatter [tilespmem:s13], [sflag:$0x3], $0xC80, $0x38;
	[tilespmem:$0x4C80] =	vst v63  }
0x1db: {  	_ =	swait.ge [sflag:s6], $0xC80  }
0x1dc: {  	[sflag:s6] =	ssyncset.done $0x0  }
0x1dd: {  	s1 =	rddreg [dreg:$0xc];
	[sflag:s6] =	ssyncadd.s32 $0xFFFFF380  }
0x1de: {  	[hbm4b:s1+s2] =	stream.linear.scatter [tilespmem:s12], [sflag:$0x3], $0xC80, $0x38;
	[tilespmem:$0x4C80] =	vst v63  }
0x1df: {  	_ =	swait.ge [sflag:s6], $0xC80  }
0x1e0: {  	[sflag:s6] =	ssyncset.done $0x0  }
0x1e1: {  	s28 =	rddreg [dreg:$0xd];
	[sflag:s6] =	ssyncadd.s32 $0xFFFFF380  }
0x1e2: {  	[tilespmem:s19], [sflag:$0x3] =	stream.linear.gather [hbm4b:s28+s2], $0xC80, $0x38;
	[tilespmem:$0x4C80] =	vst v63  }
0x1e3: {  	_ =	swait.ge [sflag:s6], $0xC80  }
0x1e4: {  	[sflag:s6] =	ssyncset.done $0x0  }
0x1e5: {  	[sflag:s6] =	ssyncadd.s32 $0xFFFFF380  }
0x1e6: {  	[tilespmem:s13], [sflag:$0x1] =	stream.indirect.gather [hbm4b:s3+s17], $0x1, s19, s17, $0xb8;
	[tilespmem:$0x4C80] =	vst v63  }
0x1e7: {  	_ = 	snop  }
0x1e8: {  	[tilespmem:s12], [sflag:$0x2] =	stream.indirect.gather [hbm4b:s4+s17], $0x1, s19, s17, $0xb8;
	[tilespmem:$0x4C80] =	vst v63  }
0x1e9: {  	_ =	swait.ge [sflag:s10], $0xC80  }
0x1ea: {  	[sflag:s10] =	ssyncset.done $0x0  }
0x1eb: {  	[sflag:s10] =	ssyncadd.s32 $0xFFFFF380  }
0x1ec: {  	_ =	swait.ge [sflag:s11], $0xC80  }
0x1ed: {  	[sflag:s11] =	ssyncset.done $0x0  }
0x1ee: {  	s29 =	rddreg [dreg:$0xe];
	[sflag:s11] =	ssyncadd.s32 $0xFFFFF380  }
0x1ef: {  	[hbm4b:s29+s2] =	stream.linear.scatter [tilespmem:s17], [sflag:$0x3], $0xC80, $0x38;
	[tilespmem:$0x4C80] =	vst v63  }
0x1f0: {  	_ =	swait.ge [sflag:s6], $0xC80  }
0x1f1: {  	[sflag:s6] =	ssyncset.done $0x0  }
0x1f2: {  	s30 =	rddreg [dreg:$0xf];
	[sflag:s6] =	ssyncadd.s32 $0xFFFFF380  }
0x1f3: {  	[hbm4b:s30+s2] =	stream.linear.scatter [tilespmem:s15], [sflag:$0x3], $0xC80, $0x38;
	[tilespmem:$0x4C80] =	vst v63  }
0x1f4: {  	_ =	swait.ge [sflag:s6], $0xC80  }
0x1f5: {  	[sflag:s6] =	ssyncset.done $0x0  }
0x1f6: {  	[sflag:s6] =	ssyncadd.s32 $0xFFFFF380  }
0x1f7: {  	[tilespmem:s2], [sflag:$0x3] =	stream.linear.gather [hbm4b:s26+s2], $0xC80, $0x38;
	[tilespmem:$0x4C80] =	vst v63  }
0x1f8: {  	_ =	swait.ge [sflag:s6], $0xC80  }
0x1f9: {  	[sflag:s6] =	ssyncset.done $0x0  }
0x1fa: {  	[sflag:s6] =	ssyncadd.s32 $0xFFFFF380  }
0x1fb: {  	[tilespmem:s17], [sflag:$0x1] =	stream.indirect.gather [hbm4b:s3+s17], $0x1, s2, s17, $0xb8;
	[tilespmem:$0x4C80] =	vst v63  }
0x1fc: {  	_ = 	snop  }
0x1fd: {  	[tilespmem:s15], [sflag:$0x2] =	stream.indirect.gather [hbm4b:s4+s17], $0x1, s2, s17, $0xb8;
	[tilespmem:$0x4C80] =	vst v63  }
0x1fe: {  	_ =	swait.ge [sflag:s10], $0xC80  }
0x1ff: {  	[sflag:s10] =	ssyncset.done $0x0  }
0x200: {  	[sflag:s10] =	ssyncadd.s32 $0xFFFFF380  }
0x201: {  	_ =	swait.ge [sflag:s11], $0xC80  }
0x202: {  	[sflag:s11] =	ssyncset.done $0x0  }
0x203: {  	[sflag:s11] =	ssyncadd.s32 $0xFFFFF380  }
0x204: {  	[hbm4b:s25+s2] =	stream.linear.scatter [tilespmem:s13], [sflag:$0x3], $0xC80, $0x38;
	[tilespmem:$0x4C80] =	vst v63  }
0x205: {  	_ =	swait.ge [sflag:s6], $0xC80  }
0x206: {  	[sflag:s6] =	ssyncset.done $0x0  }
0x207: {  	[sflag:s6] =	ssyncadd.s32 $0xFFFFF380  }
0x208: {  	[hbm4b:s24+s2] =	stream.linear.scatter [tilespmem:s12], [sflag:$0x3], $0xC80, $0x38;
	[tilespmem:$0x4C80] =	vst v63  }
0x209: {  	_ =	swait.ge [sflag:s6], $0xC80  }
0x20a: {  	[sflag:s6] =	ssyncset.done $0x0  }
0x20b: {  	[sflag:s6] =	ssyncadd.s32 $0xFFFFF380  }
0x20c: {  	[tilespmem:s19], [sflag:$0x3] =	stream.linear.gather [hbm4b:s23+s2], $0xC80, $0x38;
	[tilespmem:$0x4C80] =	vst v63  }
0x20d: {  	_ =	swait.ge [sflag:s6], $0xC80  }
0x20e: {  	[sflag:s6] =	ssyncset.done $0x0  }
0x20f: {  	[sflag:s6] =	ssyncadd.s32 $0xFFFFF380  }
0x210: {  	[tilespmem:s13], [sflag:$0x1] =	stream.indirect.gather [hbm4b:s3+s17], $0x1, s19, s17, $0xb8;
	[tilespmem:$0x4C80] =	vst v63  }
0x211: {  	_ = 	snop  }
0x212: {  	[tilespmem:s12], [sflag:$0x2] =	stream.indirect.gather [hbm4b:s4+s17], $0x1, s19, s17, $0xb8;
	[tilespmem:$0x4C80] =	vst v63  }
0x213: {  	_ =	swait.ge [sflag:s10], $0xC80  }
0x214: {  	[sflag:s10] =	ssyncset.done $0x0  }
0x215: {  	[sflag:s10] =	ssyncadd.s32 $0xFFFFF380  }
0x216: {  	_ =	swait.ge [sflag:s11], $0xC80  }
0x217: {  	[sflag:s11] =	ssyncset.done $0x0  }
0x218: {  	[sflag:s11] =	ssyncadd.s32 $0xFFFFF380  }
0x219: {  	[hbm4b:s22+s2] =	stream.linear.scatter [tilespmem:s17], [sflag:$0x3], $0xC80, $0x38;
	[tilespmem:$0x4C80] =	vst v63  }
0x21a: {  	_ =	swait.ge [sflag:s6], $0xC80  }
0x21b: {  	[sflag:s6] =	ssyncset.done $0x0  }
0x21c: {  	[sflag:s6] =	ssyncadd.s32 $0xFFFFF380  }
0x21d: {  	[hbm4b:s21+s2] =	stream.linear.scatter [tilespmem:s15], [sflag:$0x3], $0xC80, $0x38;
	[tilespmem:$0x4C80] =	vst v63  }
0x21e: {  	_ =	swait.ge [sflag:s6], $0xC80  }
0x21f: {  	[sflag:s6] =	ssyncset.done $0x0  }
0x220: {  	[sflag:s6] =	ssyncadd.s32 $0xFFFFF380  }
0x221: {  	[tilespmem:s2], [sflag:$0x3] =	stream.linear.gather [hbm4b:s20+s2], $0xC80, $0x38;
	[tilespmem:$0x4C80] =	vst v63  }
0x222: {  	_ =	swait.ge [sflag:s6], $0xC80  }
0x223: {  	[sflag:s6] =	ssyncset.done $0x0  }
0x224: {  	[sflag:s6] =	ssyncadd.s32 $0xFFFFF380  }
0x225: {  	[tilespmem:s17], [sflag:$0x1] =	stream.indirect.gather [hbm4b:s3+s17], $0x1, s2, s17, $0xb8;
	[tilespmem:$0x4C80] =	vst v63  }
0x226: {  	_ = 	snop  }
0x227: {  	[tilespmem:s15], [sflag:$0x2] =	stream.indirect.gather [hbm4b:s4+s17], $0x1, s2, s17, $0xb8;
	[tilespmem:$0x4C80] =	vst v63  }
0x228: {  	_ =	swait.ge [sflag:s10], $0xC80  }
0x229: {  	[sflag:s10] =	ssyncset.done $0x0  }
0x22a: {  	[sflag:s10] =	ssyncadd.s32 $0xFFFFF380  }
0x22b: {  	_ =	swait.ge [sflag:s11], $0xC80  }
0x22c: {  	[sflag:s11] =	ssyncset.done $0x0  }
0x22d: {  	[sflag:s11] =	ssyncadd.s32 $0xFFFFF380  }
0x22e: {  	[hbm4b:s18+s2] =	stream.linear.scatter [tilespmem:s13], [sflag:$0x3], $0xC80, $0x38;
	[tilespmem:$0x4C80] =	vst v63  }
0x22f: {  	_ =	swait.ge [sflag:s6], $0xC80  }
0x230: {  	[sflag:s6] =	ssyncset.done $0x0  }
0x231: {  	[sflag:s6] =	ssyncadd.s32 $0xFFFFF380  }
0x232: {  	[hbm4b:s16+s2] =	stream.linear.scatter [tilespmem:s12], [sflag:$0x3], $0xC80, $0x38;
	[tilespmem:$0x4C80] =	vst v63  }
0x233: {  	_ =	swait.ge [sflag:s6], $0xC80  }
0x234: {  	[sflag:s6] =	ssyncset.done $0x0  }
0x235: {  	[sflag:s6] =	ssyncadd.s32 $0xFFFFF380  }
0x236: {  	[tilespmem:s19], [sflag:$0x3] =	stream.linear.gather [hbm4b:s14+s2], $0xC80, $0x38;
	[tilespmem:$0x4C80] =	vst v63  }
0x237: {  	_ =	swait.ge [sflag:s6], $0xC80  }
0x238: {  	[sflag:s6] =	ssyncset.done $0x0  }
0x239: {  	[sflag:s6] =	ssyncadd.s32 $0xFFFFF380  }
0x23a: {  	[tilespmem:s13], [sflag:$0x1] =	stream.indirect.gather [hbm4b:s3+s17], $0x1, s19, s17, $0xb8;
	[tilespmem:$0x4C80] =	vst v63  }
0x23b: {  	_ = 	snop  }
0x23c: {  	[tilespmem:s12], [sflag:$0x2] =	stream.indirect.gather [hbm4b:s4+s17], $0x1, s19, s17, $0xb8;
	[tilespmem:$0x4C80] =	vst v63  }
0x23d: {  	_ =	swait.ge [sflag:s10], $0xC80  }
0x23e: {  	[sflag:s10] =	ssyncset.done $0x0  }
0x23f: {  	[sflag:s10] =	ssyncadd.s32 $0xFFFFF380  }
0x240: {  	_ =	swait.ge [sflag:s11], $0xC80  }
0x241: {  	[sflag:s11] =	ssyncset.done $0x0  }
0x242: {  	[sflag:s11] =	ssyncadd.s32 $0xFFFFF380  }
0x243: {  	[hbm4b:s9+s2] =	stream.linear.scatter [tilespmem:s17], [sflag:$0x3], $0xC80, $0x38;
	[tilespmem:$0x4C80] =	vst v63  }
0x244: {  	_ =	swait.ge [sflag:s6], $0xC80  }
0x245: {  	[sflag:s6] =	ssyncset.done $0x0  }
0x246: {  	[sflag:s6] =	ssyncadd.s32 $0xFFFFF380  }
0x247: {  	[hbm4b:s8+s2] =	stream.linear.scatter [tilespmem:s15], [sflag:$0x3], $0xC80, $0x38;
	[tilespmem:$0x4C80] =	vst v63  }
0x248: {  	_ =	swait.ge [sflag:s6], $0xC80  }
0x249: {  	[sflag:s6] =	ssyncset.done $0x0  }
0x24a: {  	[sflag:s6] =	ssyncadd.s32 $0xFFFFF380  }
0x24b: {  	_ =	swait.ge [sflag:s10], $0xC80  }
0x24c: {  	[sflag:s10] =	ssyncset.done $0x0  }
0x24d: {  	[sflag:s10] =	ssyncadd.s32 $0xFFFFF380  }
0x24e: {  	_ =	swait.ge [sflag:s11], $0xC80  }
0x24f: {  	[sflag:s11] =	ssyncset.done $0x0  }
0x250: {  	[sflag:s11] =	ssyncadd.s32 $0xFFFFF380  }
0x251: {  	[hbm4b:s7+s2] =	stream.linear.scatter [tilespmem:s13], [sflag:$0x3], $0xC80, $0x38;
	[tilespmem:$0x4C80] =	vst v63  }
0x252: {  	_ =	swait.ge [sflag:s6], $0xC80  }
0x253: {  	[sflag:s6] =	ssyncset.done $0x0  }
0x254: {  	[sflag:s6] =	ssyncadd.s32 $0xFFFFF380  }
0x255: {  	[hbm4b:s5+s2] =	stream.linear.scatter [tilespmem:s12], [sflag:$0x3], $0xC80, $0x38;
	[tilespmem:$0x4C80] =	vst v63  }
0x256: {  	_ =	swait.ge [sflag:s6], $0xC80  }
0x257: {  	[sflag:s6] =	ssyncset.done $0x0  }
0x258: {  	[sflag:s6] =	ssyncadd.s32 $0xFFFFF380  }
0x259: {  	_ =	sfence.sel $0x180000  }
0x25a: {  	[bflag:$0x0] =	sbarrier.arrive $0xFFFF  }
0x25b: {  	_ =	strace $0x90000047  }
0x25c: {  	s31 =	stileid.u32;
	[bflag:$0x2] =	sbarrier.arrive $0xFFFF  }
0x25d: {  	p0 =	sne.s32 s31, $0x0;
	s0 =	rddreg [dreg:$0x2]  }
0x25e: {  	s0 =	sadd.s32 @!p0 $0x100000, s0  }
0x25f: {  	[sflag:s0] =	ssyncadd.tile.s32 @!p0 $0x1;
	_ =	shalt  }
.Lfunc_end2:
_tile_overlayer_lowered:
.L_overlay_start_2:
0x260: {  	(tag) =	ssettag $0x2  }
0x261: {  	s0 =	rddreg [dreg:$0x0];
	s2 =	stileid.u32  }
0x262: {  	s1 =	rddreg [dreg:$0x1];
	p0 =	sne.s32 s2, $0x0  }
0x263: {  	s3 =	rddreg [dreg:$0x2];
	[bflag:$0x3] =	sbarrier.arrive $0xFFFF;
	s2 =	simm.s32 @!p0 $0x1C03  }
0x264: {  	[timem:s3], [sflag:s2] =	dma.local @!p0 [hbm:s0], s1  }
0x265: {  	s0 =	simm.s32 @!p0 $0x3  }
0x266: {  	_ =	swait.ge @!p0 [sflag:s0], s1  }
0x267: {  	s1 =	ssub.s32 @!p0 $0x0, s1;
	[sflag:s0] =	ssyncset.done @!p0 $0x0  }
0x268: {  	[sflag:s0] =	ssyncadd.s32 @!p0 s1  }
0x269: {  	[bflag:$0x3] =	sbarrier.arrive $0xFFFF  }
0x26a: {  	_ =	shalt  }

</sc_bundles>
